<compile_context>
chip_gen: v7x
topology: tpu7x:2x2x1
jax: 0.10.2.dev20260603
libtpu: 0.0.44.dev20260713+nightly
codegen_flags: <defaults>
</compile_context>

<pallas_src>
import functools

import jax
import jax.numpy as jnp
from jax import lax
from jax.experimental import pallas as pl
from jax.experimental.pallas import tpu as pltpu
from jax.experimental.pallas import tpu_sc as plsc

_SPAN_A = (151, 269)
_GROUPS_B = [(281, 286), (30, 33), (33, 38), (80, 101), (365, 383),
             (389, 398), (118, 122), (300, 320)]

_B = 256
_K = 2048
_NSPAN = 512
_NB = 16
_NA = _SPAN_A[1] - _SPAN_A[0]

_A_SEG = (_SPAN_A[0] - _SPAN_A[0] % 8, _SPAN_A[1] + (-_SPAN_A[1]) % 8)
_A_BASE = _SPAN_A[0] - _A_SEG[0]


def _plan_b():
    segs = []
    for s, e in sorted(_GROUPS_B):
        ps, pe = s - s % 8, e + (-e) % 8
        if segs and ps <= segs[-1][1]:
            segs[-1][1] = max(segs[-1][1], pe)
        else:
            segs.append([ps, pe])
    offs, off = [], 0
    for ps, pe in segs:
        offs.append(off)
        off += pe - ps
    seg_plan = [(ps, pe, o) for (ps, pe), o in zip(segs, offs)]
    gmap = []
    for s, e in _GROUPS_B:
        for (ps, pe), o in zip(segs, offs):
            if ps <= s and e <= pe:
                gmap.append((o + s - ps, e - s))
                break
    return seg_plan, gmap


_B_SEGS, _B_GMAP = _plan_b()
_BUF_ROWS = max(_A_SEG[1] - _A_SEG[0],
                sum(pe - ps for ps, pe, _ in _B_SEGS))


def _tc_logits_t_body(x_ref, w_ref, b_ref, o_ref):
    acc = jnp.dot(x_ref[...], w_ref[...], preferred_element_type=jnp.float32)
    o_ref[...] = (acc + b_ref[...]).T


def _tc_logits_t(x, W, b2d):
    return pl.pallas_call(
        _tc_logits_t_body,
        grid=(1,),
        in_specs=[
            pl.BlockSpec((_B, _K), lambda i: (0, 0)),
            pl.BlockSpec((_K, _NSPAN), lambda i: (0, 0)),
            pl.BlockSpec((1, _NSPAN), lambda i: (0, 0)),
        ],
        out_specs=pl.BlockSpec((_NSPAN, _B), lambda i: (0, 0)),
        out_shape=jax.ShapeDtypeStruct((_NSPAN, _B), jnp.float32),
    )(x, W, b2d)


@functools.cache
def _sc_group_mean_kernel():
    mesh = plsc.VectorSubcoreMesh(core_axis_name="c", subcore_axis_name="s")

    @functools.partial(
        pl.kernel,
        mesh=mesh,
        out_type=jax.ShapeDtypeStruct((16, _B), jnp.float32),
        scratch_types=[
            pltpu.VMEM((_BUF_ROWS, 16), jnp.float32),
            pltpu.VMEM((8, 16), jnp.float32),
        ],
        compiler_params=pltpu.CompilerParams(use_tc_tiling_on_sc=False),
    )
    def _sc_group_mean(logt_hbm, out_hbm, buf_v, ob_v):
        rb = lax.axis_index("s")
        sub = lax.axis_index("c")
        col0 = rb * 16

        @pl.when(sub == 0)
        def _a():
            n = _A_SEG[1] - _A_SEG[0]
            pltpu.sync_copy(logt_hbm.at[pl.ds(_A_SEG[0], n), pl.ds(col0, 16)],
                            buf_v.at[pl.ds(0, n)])
            acc = [jnp.zeros((16,), jnp.float32) for _ in range(4)]
            for i in range(_A_BASE, _A_BASE + _NA):
                acc[i % 4] = acc[i % 4] + buf_v[i, :]
            tot = (acc[0] + acc[1]) + (acc[2] + acc[3])
            ob_v[0, :] = tot * (1.0 / _NA)
            pltpu.sync_copy(ob_v.at[pl.ds(0, 8)],
                            out_hbm.at[pl.ds(0, 8), pl.ds(col0, 16)])

        @pl.when(sub == 1)
        def _b():
            for ps, pe, o in _B_SEGS:
                pltpu.sync_copy(logt_hbm.at[pl.ds(ps, pe - ps),
                                            pl.ds(col0, 16)],
                                buf_v.at[pl.ds(o, pe - ps)])
            for k, (o, n) in enumerate(_B_GMAP):
                acc = jnp.zeros((16,), jnp.float32)
                for i in range(n):
                    acc = acc + buf_v[o + i, :]
                ob_v[k, :] = acc * (1.0 / n)
            pltpu.sync_copy(ob_v.at[pl.ds(0, 8)],
                            out_hbm.at[pl.ds(8, 8), pl.ds(col0, 16)])

    return _sc_group_mean


def kernel(x, W, b):
    b2d = jnp.reshape(b[:_NSPAN], (1, _NSPAN))
    logt = _tc_logits_t(x, W, b2d)
    outt = _sc_group_mean_kernel()(logt)
    return jnp.concatenate([outt[0:1], outt[8:16]], axis=0).T

# --- scband reference (transcript-rebuilt; emitter-appended) ---
"""Pipeline reference for scband-region-class-selection-model-32238024524584 (READ-ONLY COPY).

The authoritative reference and input builder live on the scoring server;
editing this copy changes nothing except your own understanding.
"""

import jax, jax.numpy as jnp
import numpy as np

# Restricted-ImageNet superclass index groups (from restricted_imagenet_target_class)
_GROUPS = [np.arange(151, 269), np.arange(281, 286), np.arange(30, 33), np.arange(33, 38),
           np.arange(80, 101), np.arange(365, 383), np.arange(389, 398), np.arange(118, 122),
           np.arange(300, 320)]

def setup_inputs(seed: int = 0):
    key = jax.random.key(seed)
    k1, k2 = jax.random.split(key)
    x = jax.random.normal(k1, (256, 2048), dtype=jnp.float32)
    W = jax.random.normal(k2, (2048, 1000), dtype=jnp.float32) * 0.02
    b = jnp.zeros((1000,), dtype=jnp.float32)
    return {"x": x, "W": W, "b": b}

def reference(x, W, b):
    # inner model: linear classifier producing logits [B, 1000]
    logit = x @ W + b
    # wrapper: per-superclass mean over the selected class logits -> [B, 9]
    result = jnp.stack([jnp.take(logit, jnp.asarray(g), axis=1).mean(axis=1) for g in _GROUPS], axis=1)
    return result

if __name__ == "__main__":
    import jax
    _d = setup_inputs()
    print(jax.jit(kernel)(*tuple(_d.values())))

</pallas_src>

<mosaic_0001>
#map = affine_map<(d0, d1) -> (0, 0)>
module attributes {stable_mosaic.version = 14 : i64} {
  func.func @_sc_group_mean(%arg0: i32, %arg1: i32, %arg2: memref<512x256xf32, #tpu.memory_space<hbm>>, %arg3: memref<16x256xf32, #tpu.memory_space<hbm>>, %arg4: memref<128x16xf32, #tpu.memory_space<vmem>>, %arg5: memref<8x16xf32, #tpu.memory_space<vmem>>) attributes {dimension_semantics = [#tpu.dimension_semantics<core_parallel>, #tpu.dimension_semantics<subcore_parallel>], iteration_bounds = array<i64: 2, 16>, scalar_prefetch = 0 : i64, scratch_operands = 2 : i64, tpu.core_type = #tpu.core_type<sc_vector_subcore>, window_params = [{transform_indices = #map}, {transform_indices = #map}]} {
    %mul3A = arith.constant 16 : i32
    %mul3A_0 = arith.muli %arg1, %mul3A : i32
    %eq3A = arith.constant 0 : i32
    %eq3A_1 = arith.cmpi eq, %arg0, %eq3A : i32
    %convert_element_type3A = arith.extui %eq3A_1 : i1 to i32
    %cond3A = arith.constant 0 : i32
    %cond3A_2 = arith.cmpi ne, %convert_element_type3A, %cond3A : i32
    scf.if %cond3A_2 {
      "tpu.region"() ({
        %run_scoped3A = tpu.sem_alloc : memref<!tpu.dma_semaphore, #tpu.memory_space<semaphore_mem>>
        %dma_start3A = arith.constant 0 : i32
        %dma_start3A_732 = arith.constant 0 : i32
        %dma_start3A_733 = tpu.memref_slice %arg4[%dma_start3A, %dma_start3A_732] : memref<128x16xf32, #tpu.memory_space<vmem>> -> memref<128x16xf32, #tpu.memory_space<vmem>>
        %dma_start3A_734 = arith.constant 144 : i32
        %dma_start3A_735 = tpu.memref_slice %arg2[%dma_start3A_734, %mul3A_0] : memref<512x256xf32, #tpu.memory_space<hbm>> -> memref<128x16xf32, #tpu.memory_space<hbm>>
        %dma_start3A_736 = arith.constant 0 : i32
        %dma_start3A_737 = arith.constant 0 : i32
        %dma_start3A_738 = tpu.memref_slice %arg4[%dma_start3A_736, %dma_start3A_737] : memref<128x16xf32, #tpu.memory_space<vmem>> -> memref<128x16xf32, #tpu.memory_space<vmem>>
        %dma_start3A_739 = arith.constant 144 : i32
        %dma_start3A_740 = tpu.memref_slice %arg2[%dma_start3A_739, %mul3A_0] : memref<512x256xf32, #tpu.memory_space<hbm>> -> memref<128x16xf32, #tpu.memory_space<hbm>>
        tpu.enqueue_dma source(%dma_start3A_740 : memref<128x16xf32, #tpu.memory_space<hbm>>) target(%dma_start3A_738 : memref<128x16xf32, #tpu.memory_space<vmem>>) target_semaphore(%run_scoped3A : memref<!tpu.dma_semaphore, #tpu.memory_space<semaphore_mem>>)
        %dma_wait3A = arith.constant 0 : i32
        %dma_wait3A_741 = arith.constant 0 : i32
        %dma_wait3A_742 = tpu.memref_slice %arg4[%dma_wait3A, %dma_wait3A_741] : memref<128x16xf32, #tpu.memory_space<vmem>> -> memref<128x16xf32, #tpu.memory_space<vmem>>
        %dma_wait3A_743 = arith.constant 144 : i32
        %dma_wait3A_744 = tpu.memref_slice %arg2[%dma_wait3A_743, %mul3A_0] : memref<512x256xf32, #tpu.memory_space<hbm>> -> memref<128x16xf32, #tpu.memory_space<hbm>>
        %dma_wait3A_745 = arith.constant 0 : i32
        %dma_wait3A_746 = arith.constant 0 : i32
        %dma_wait3A_747 = tpu.memref_slice %arg4[%dma_wait3A_745, %dma_wait3A_746] : memref<128x16xf32, #tpu.memory_space<vmem>> -> memref<128x16xf32, #tpu.memory_space<vmem>>
        %dma_wait3A_748 = arith.constant 144 : i32
        %dma_wait3A_749 = tpu.memref_slice %arg2[%dma_wait3A_748, %mul3A_0] : memref<512x256xf32, #tpu.memory_space<hbm>> -> memref<128x16xf32, #tpu.memory_space<hbm>>
        tpu.wait_dma2 semaphore(%run_scoped3A : memref<!tpu.dma_semaphore, #tpu.memory_space<semaphore_mem>>) src(%dma_wait3A_749 : memref<128x16xf32, #tpu.memory_space<hbm>>) dst(%dma_wait3A_747 : memref<128x16xf32, #tpu.memory_space<vmem>>)
        tpu.yield
      }) : () -> ()
      %broadcast_in_dim3A = arith.constant 0.000000e+00 : f32
      %broadcast_in_dim3A_8 = vector.broadcast %broadcast_in_dim3A : f32 to vector<16xf32>
      %broadcast_in_dim3A_9 = arith.constant 0.000000e+00 : f32
      %broadcast_in_dim3A_10 = vector.broadcast %broadcast_in_dim3A_9 : f32 to vector<16xf32>
      %broadcast_in_dim3A_11 = arith.constant 0.000000e+00 : f32
      %broadcast_in_dim3A_12 = vector.broadcast %broadcast_in_dim3A_11 : f32 to vector<16xf32>
      %broadcast_in_dim3A_13 = arith.constant 0.000000e+00 : f32
      %broadcast_in_dim3A_14 = vector.broadcast %broadcast_in_dim3A_13 : f32 to vector<16xf32>
      %get3A = arith.constant 7 : i32
      %get3A_15 = arith.index_cast %get3A : i32 to index
      %get3A_16 = arith.constant 0 : index
      %get3A_17 = tpu.vector_load %arg4[%get3A_15, %get3A_16] {strides = array<i32>} : memref<128x16xf32, #tpu.memory_space<vmem>>, vector<1x16xf32>,
      %get3A_18 = vector.shape_cast %get3A_17 : vector<1x16xf32> to vector<16xf32>
      %add3A = arith.addf %broadcast_in_dim3A_14, %get3A_18 : vector<16xf32>
      %get3A_19 = arith.constant 8 : i32
      %get3A_20 = arith.index_cast %get3A_19 : i32 to index
      %get3A_21 = arith.constant 0 : index
      %get3A_22 = tpu.vector_load %arg4[%get3A_20, %get3A_21] {strides = array<i32>} : memref<128x16xf32, #tpu.memory_space<vmem>>, vector<1x16xf32>,
      %get3A_23 = vector.shape_cast %get3A_22 : vector<1x16xf32> to vector<16xf32>
      %add3A_24 = arith.addf %broadcast_in_dim3A_8, %get3A_23 : vector<16xf32>
      %get3A_25 = arith.constant 9 : i32
      %get3A_26 = arith.index_cast %get3A_25 : i32 to index
      %get3A_27 = arith.constant 0 : index
      %get3A_28 = tpu.vector_load %arg4[%get3A_26, %get3A_27] {strides = array<i32>} : memref<128x16xf32, #tpu.memory_space<vmem>>, vector<1x16xf32>,
      %get3A_29 = vector.shape_cast %get3A_28 : vector<1x16xf32> to vector<16xf32>
      %add3A_30 = arith.addf %broadcast_in_dim3A_10, %get3A_29 : vector<16xf32>
      %get3A_31 = arith.constant 10 : i32
      %get3A_32 = arith.index_cast %get3A_31 : i32 to index
      %get3A_33 = arith.constant 0 : index
      %get3A_34 = tpu.vector_load %arg4[%get3A_32, %get3A_33] {strides = array<i32>} : memref<128x16xf32, #tpu.memory_space<vmem>>, vector<1x16xf32>,
      %get3A_35 = vector.shape_cast %get3A_34 : vector<1x16xf32> to vector<16xf32>
      %add3A_36 = arith.addf %broadcast_in_dim3A_12, %get3A_35 : vector<16xf32>
      %get3A_37 = arith.constant 11 : i32
      %get3A_38 = arith.index_cast %get3A_37 : i32 to index
      %get3A_39 = arith.constant 0 : index
      %get3A_40 = tpu.vector_load %arg4[%get3A_38, %get3A_39] {strides = array<i32>} : memref<128x16xf32, #tpu.memory_space<vmem>>, vector<1x16xf32>,
      %get3A_41 = vector.shape_cast %get3A_40 : vector<1x16xf32> to vector<16xf32>
      %add3A_42 = arith.addf %add3A, %get3A_41 : vector<16xf32>
      %get3A_43 = arith.constant 12 : i32
      %get3A_44 = arith.index_cast %get3A_43 : i32 to index
      %get3A_45 = arith.constant 0 : index
      %get3A_46 = tpu.vector_load %arg4[%get3A_44, %get3A_45] {strides = array<i32>} : memref<128x16xf32, #tpu.memory_space<vmem>>, vector<1x16xf32>,
      %get3A_47 = vector.shape_cast %get3A_46 : vector<1x16xf32> to vector<16xf32>
      %add3A_48 = arith.addf %add3A_24, %get3A_47 : vector<16xf32>
      %get3A_49 = arith.constant 13 : i32
      %get3A_50 = arith.index_cast %get3A_49 : i32 to index
      %get3A_51 = arith.constant 0 : index
      %get3A_52 = tpu.vector_load %arg4[%get3A_50, %get3A_51] {strides = array<i32>} : memref<128x16xf32, #tpu.memory_space<vmem>>, vector<1x16xf32>,
      %get3A_53 = vector.shape_cast %get3A_52 : vector<1x16xf32> to vector<16xf32>
      %add3A_54 = arith.addf %add3A_30, %get3A_53 : vector<16xf32>
      %get3A_55 = arith.constant 14 : i32
      %get3A_56 = arith.index_cast %get3A_55 : i32 to index
      %get3A_57 = arith.constant 0 : index
      %get3A_58 = tpu.vector_load %arg4[%get3A_56, %get3A_57] {strides = array<i32>} : memref<128x16xf32, #tpu.memory_space<vmem>>, vector<1x16xf32>,
      %get3A_59 = vector.shape_cast %get3A_58 : vector<1x16xf32> to vector<16xf32>
      %add3A_60 = arith.addf %add3A_36, %get3A_59 : vector<16xf32>
      %get3A_61 = arith.constant 15 : i32
      %get3A_62 = arith.index_cast %get3A_61 : i32 to index
      %get3A_63 = arith.constant 0 : index
      %get3A_64 = tpu.vector_load %arg4[%get3A_62, %get3A_63] {strides = array<i32>} : memref<128x16xf32, #tpu.memory_space<vmem>>, vector<1x16xf32>,
      %get3A_65 = vector.shape_cast %get3A_64 : vector<1x16xf32> to vector<16xf32>
      %add3A_66 = arith.addf %add3A_42, %get3A_65 : vector<16xf32>
      %get3A_67 = arith.constant 16 : i32
      %get3A_68 = arith.index_cast %get3A_67 : i32 to index
      %get3A_69 = arith.constant 0 : index
      %get3A_70 = tpu.vector_load %arg4[%get3A_68, %get3A_69] {strides = array<i32>} : memref<128x16xf32, #tpu.memory_space<vmem>>, vector<1x16xf32>,
      %get3A_71 = vector.shape_cast %get3A_70 : vector<1x16xf32> to vector<16xf32>
      %add3A_72 = arith.addf %add3A_48, %get3A_71 : vector<16xf32>
      %get3A_73 = arith.constant 17 : i32
      %get3A_74 = arith.index_cast %get3A_73 : i32 to index
      %get3A_75 = arith.constant 0 : index
      %get3A_76 = tpu.vector_load %arg4[%get3A_74, %get3A_75] {strides = array<i32>} : memref<128x16xf32, #tpu.memory_space<vmem>>, vector<1x16xf32>,
      %get3A_77 = vector.shape_cast %get3A_76 : vector<1x16xf32> to vector<16xf32>
      %add3A_78 = arith.addf %add3A_54, %get3A_77 : vector<16xf32>
      %get3A_79 = arith.constant 18 : i32
      %get3A_80 = arith.index_cast %get3A_79 : i32 to index
      %get3A_81 = arith.constant 0 : index
      %get3A_82 = tpu.vector_load %arg4[%get3A_80, %get3A_81] {strides = array<i32>} : memref<128x16xf32, #tpu.memory_space<vmem>>, vector<1x16xf32>,
      %get3A_83 = vector.shape_cast %get3A_82 : vector<1x16xf32> to vector<16xf32>
      %add3A_84 = arith.addf %add3A_60, %get3A_83 : vector<16xf32>
      %get3A_85 = arith.constant 19 : i32
      %get3A_86 = arith.index_cast %get3A_85 : i32 to index
      %get3A_87 = arith.constant 0 : index
      %get3A_88 = tpu.vector_load %arg4[%get3A_86, %get3A_87] {strides = array<i32>} : memref<128x16xf32, #tpu.memory_space<vmem>>, vector<1x16xf32>,
      %get3A_89 = vector.shape_cast %get3A_88 : vector<1x16xf32> to vector<16xf32>
      %add3A_90 = arith.addf %add3A_66, %get3A_89 : vector<16xf32>
      %get3A_91 = arith.constant 20 : i32
      %get3A_92 = arith.index_cast %get3A_91 : i32 to index
      %get3A_93 = arith.constant 0 : index
      %get3A_94 = tpu.vector_load %arg4[%get3A_92, %get3A_93] {strides = array<i32>} : memref<128x16xf32, #tpu.memory_space<vmem>>, vector<1x16xf32>,
      %get3A_95 = vector.shape_cast %get3A_94 : vector<1x16xf32> to vector<16xf32>
      %add3A_96 = arith.addf %add3A_72, %get3A_95 : vector<16xf32>
      %get3A_97 = arith.constant 21 : i32
      %get3A_98 = arith.index_cast %get3A_97 : i32 to index
      %get3A_99 = arith.constant 0 : index
      %get3A_100 = tpu.vector_load %arg4[%get3A_98, %get3A_99] {strides = array<i32>} : memref<128x16xf32, #tpu.memory_space<vmem>>, vector<1x16xf32>,
      %get3A_101 = vector.shape_cast %get3A_100 : vector<1x16xf32> to vector<16xf32>
      %add3A_102 = arith.addf %add3A_78, %get3A_101 : vector<16xf32>
      %get3A_103 = arith.constant 22 : i32
      %get3A_104 = arith.index_cast %get3A_103 : i32 to index
      %get3A_105 = arith.constant 0 : index
      %get3A_106 = tpu.vector_load %arg4[%get3A_104, %get3A_105] {strides = array<i32>} : memref<128x16xf32, #tpu.memory_space<vmem>>, vector<1x16xf32>,
      %get3A_107 = vector.shape_cast %get3A_106 : vector<1x16xf32> to vector<16xf32>
      %add3A_108 = arith.addf %add3A_84, %get3A_107 : vector<16xf32>
      %get3A_109 = arith.constant 23 : i32
      %get3A_110 = arith.index_cast %get3A_109 : i32 to index
      %get3A_111 = arith.constant 0 : index
      %get3A_112 = tpu.vector_load %arg4[%get3A_110, %get3A_111] {strides = array<i32>} : memref<128x16xf32, #tpu.memory_space<vmem>>, vector<1x16xf32>,
      %get3A_113 = vector.shape_cast %get3A_112 : vector<1x16xf32> to vector<16xf32>
      %add3A_114 = arith.addf %add3A_90, %get3A_113 : vector<16xf32>
      %get3A_115 = arith.constant 24 : i32
      %get3A_116 = arith.index_cast %get3A_115 : i32 to index
      %get3A_117 = arith.constant 0 : index
      %get3A_118 = tpu.vector_load %arg4[%get3A_116, %get3A_117] {strides = array<i32>} : memref<128x16xf32, #tpu.memory_space<vmem>>, vector<1x16xf32>,
      %get3A_119 = vector.shape_cast %get3A_118 : vector<1x16xf32> to vector<16xf32>
      %add3A_120 = arith.addf %add3A_96, %get3A_119 : vector<16xf32>
      %get3A_121 = arith.constant 25 : i32
      %get3A_122 = arith.index_cast %get3A_121 : i32 to index
      %get3A_123 = arith.constant 0 : index
      %get3A_124 = tpu.vector_load %arg4[%get3A_122, %get3A_123] {strides = array<i32>} : memref<128x16xf32, #tpu.memory_space<vmem>>, vector<1x16xf32>,
      %get3A_125 = vector.shape_cast %get3A_124 : vector<1x16xf32> to vector<16xf32>
      %add3A_126 = arith.addf %add3A_102, %get3A_125 : vector<16xf32>
      %get3A_127 = arith.constant 26 : i32
      %get3A_128 = arith.index_cast %get3A_127 : i32 to index
      %get3A_129 = arith.constant 0 : index
      %get3A_130 = tpu.vector_load %arg4[%get3A_128, %get3A_129] {strides = array<i32>} : memref<128x16xf32, #tpu.memory_space<vmem>>, vector<1x16xf32>,
      %get3A_131 = vector.shape_cast %get3A_130 : vector<1x16xf32> to vector<16xf32>
      %add3A_132 = arith.addf %add3A_108, %get3A_131 : vector<16xf32>
      %get3A_133 = arith.constant 27 : i32
      %get3A_134 = arith.index_cast %get3A_133 : i32 to index
      %get3A_135 = arith.constant 0 : index
      %get3A_136 = tpu.vector_load %arg4[%get3A_134, %get3A_135] {strides = array<i32>} : memref<128x16xf32, #tpu.memory_space<vmem>>, vector<1x16xf32>,
      %get3A_137 = vector.shape_cast %get3A_136 : vector<1x16xf32> to vector<16xf32>
      %add3A_138 = arith.addf %add3A_114, %get3A_137 : vector<16xf32>
      %get3A_139 = arith.constant 28 : i32
      %get3A_140 = arith.index_cast %get3A_139 : i32 to index
      %get3A_141 = arith.constant 0 : index
      %get3A_142 = tpu.vector_load %arg4[%get3A_140, %get3A_141] {strides = array<i32>} : memref<128x16xf32, #tpu.memory_space<vmem>>, vector<1x16xf32>,
      %get3A_143 = vector.shape_cast %get3A_142 : vector<1x16xf32> to vector<16xf32>
      %add3A_144 = arith.addf %add3A_120, %get3A_143 : vector<16xf32>
      %get3A_145 = arith.constant 29 : i32
      %get3A_146 = arith.index_cast %get3A_145 : i32 to index
      %get3A_147 = arith.constant 0 : index
      %get3A_148 = tpu.vector_load %arg4[%get3A_146, %get3A_147] {strides = array<i32>} : memref<128x16xf32, #tpu.memory_space<vmem>>, vector<1x16xf32>,
      %get3A_149 = vector.shape_cast %get3A_148 : vector<1x16xf32> to vector<16xf32>
      %add3A_150 = arith.addf %add3A_126, %get3A_149 : vector<16xf32>
      %get3A_151 = arith.constant 30 : i32
      %get3A_152 = arith.index_cast %get3A_151 : i32 to index
      %get3A_153 = arith.constant 0 : index
      %get3A_154 = tpu.vector_load %arg4[%get3A_152, %get3A_153] {strides = array<i32>} : memref<128x16xf32, #tpu.memory_space<vmem>>, vector<1x16xf32>,
      %get3A_155 = vector.shape_cast %get3A_154 : vector<1x16xf32> to vector<16xf32>
      %add3A_156 = arith.addf %add3A_132, %get3A_155 : vector<16xf32>
      %get3A_157 = arith.constant 31 : i32
      %get3A_158 = arith.index_cast %get3A_157 : i32 to index
      %get3A_159 = arith.constant 0 : index
      %get3A_160 = tpu.vector_load %arg4[%get3A_158, %get3A_159] {strides = array<i32>} : memref<128x16xf32, #tpu.memory_space<vmem>>, vector<1x16xf32>,
      %get3A_161 = vector.shape_cast %get3A_160 : vector<1x16xf32> to vector<16xf32>
      %add3A_162 = arith.addf %add3A_138, %get3A_161 : vector<16xf32>
      %get3A_163 = arith.constant 32 : i32
      %get3A_164 = arith.index_cast %get3A_163 : i32 to index
      %get3A_165 = arith.constant 0 : index
      %get3A_166 = tpu.vector_load %arg4[%get3A_164, %get3A_165] {strides = array<i32>} : memref<128x16xf32, #tpu.memory_space<vmem>>, vector<1x16xf32>,
      %get3A_167 = vector.shape_cast %get3A_166 : vector<1x16xf32> to vector<16xf32>
      %add3A_168 = arith.addf %add3A_144, %get3A_167 : vector<16xf32>
      %get3A_169 = arith.constant 33 : i32
      %get3A_170 = arith.index_cast %get3A_169 : i32 to index
      %get3A_171 = arith.constant 0 : index
      %get3A_172 = tpu.vector_load %arg4[%get3A_170, %get3A_171] {strides = array<i32>} : memref<128x16xf32, #tpu.memory_space<vmem>>, vector<1x16xf32>,
      %get3A_173 = vector.shape_cast %get3A_172 : vector<1x16xf32> to vector<16xf32>
      %add3A_174 = arith.addf %add3A_150, %get3A_173 : vector<16xf32>
      %get3A_175 = arith.constant 34 : i32
      %get3A_176 = arith.index_cast %get3A_175 : i32 to index
      %get3A_177 = arith.constant 0 : index
      %get3A_178 = tpu.vector_load %arg4[%get3A_176, %get3A_177] {strides = array<i32>} : memref<128x16xf32, #tpu.memory_space<vmem>>, vector<1x16xf32>,
      %get3A_179 = vector.shape_cast %get3A_178 : vector<1x16xf32> to vector<16xf32>
      %add3A_180 = arith.addf %add3A_156, %get3A_179 : vector<16xf32>
      %get3A_181 = arith.constant 35 : i32
      %get3A_182 = arith.index_cast %get3A_181 : i32 to index
      %get3A_183 = arith.constant 0 : index
      %get3A_184 = tpu.vector_load %arg4[%get3A_182, %get3A_183] {strides = array<i32>} : memref<128x16xf32, #tpu.memory_space<vmem>>, vector<1x16xf32>,
      %get3A_185 = vector.shape_cast %get3A_184 : vector<1x16xf32> to vector<16xf32>
      %add3A_186 = arith.addf %add3A_162, %get3A_185 : vector<16xf32>
      %get3A_187 = arith.constant 36 : i32
      %get3A_188 = arith.index_cast %get3A_187 : i32 to index
      %get3A_189 = arith.constant 0 : index
      %get3A_190 = tpu.vector_load %arg4[%get3A_188, %get3A_189] {strides = array<i32>} : memref<128x16xf32, #tpu.memory_space<vmem>>, vector<1x16xf32>,
      %get3A_191 = vector.shape_cast %get3A_190 : vector<1x16xf32> to vector<16xf32>
      %add3A_192 = arith.addf %add3A_168, %get3A_191 : vector<16xf32>
      %get3A_193 = arith.constant 37 : i32
      %get3A_194 = arith.index_cast %get3A_193 : i32 to index
      %get3A_195 = arith.constant 0 : index
      %get3A_196 = tpu.vector_load %arg4[%get3A_194, %get3A_195] {strides = array<i32>} : memref<128x16xf32, #tpu.memory_space<vmem>>, vector<1x16xf32>,
      %get3A_197 = vector.shape_cast %get3A_196 : vector<1x16xf32> to vector<16xf32>
      %add3A_198 = arith.addf %add3A_174, %get3A_197 : vector<16xf32>
      %get3A_199 = arith.constant 38 : i32
      %get3A_200 = arith.index_cast %get3A_199 : i32 to index
      %get3A_201 = arith.constant 0 : index
      %get3A_202 = tpu.vector_load %arg4[%get3A_200, %get3A_201] {strides = array<i32>} : memref<128x16xf32, #tpu.memory_space<vmem>>, vector<1x16xf32>,
      %get3A_203 = vector.shape_cast %get3A_202 : vector<1x16xf32> to vector<16xf32>
      %add3A_204 = arith.addf %add3A_180, %get3A_203 : vector<16xf32>
      %get3A_205 = arith.constant 39 : i32
      %get3A_206 = arith.index_cast %get3A_205 : i32 to index
      %get3A_207 = arith.constant 0 : index
      %get3A_208 = tpu.vector_load %arg4[%get3A_206, %get3A_207] {strides = array<i32>} : memref<128x16xf32, #tpu.memory_space<vmem>>, vector<1x16xf32>,
      %get3A_209 = vector.shape_cast %get3A_208 : vector<1x16xf32> to vector<16xf32>
      %add3A_210 = arith.addf %add3A_186, %get3A_209 : vector<16xf32>
      %get3A_211 = arith.constant 40 : i32
      %get3A_212 = arith.index_cast %get3A_211 : i32 to index
      %get3A_213 = arith.constant 0 : index
      %get3A_214 = tpu.vector_load %arg4[%get3A_212, %get3A_213] {strides = array<i32>} : memref<128x16xf32, #tpu.memory_space<vmem>>, vector<1x16xf32>,
      %get3A_215 = vector.shape_cast %get3A_214 : vector<1x16xf32> to vector<16xf32>
      %add3A_216 = arith.addf %add3A_192, %get3A_215 : vector<16xf32>
      %get3A_217 = arith.constant 41 : i32
      %get3A_218 = arith.index_cast %get3A_217 : i32 to index
      %get3A_219 = arith.constant 0 : index
      %get3A_220 = tpu.vector_load %arg4[%get3A_218, %get3A_219] {strides = array<i32>} : memref<128x16xf32, #tpu.memory_space<vmem>>, vector<1x16xf32>,
      %get3A_221 = vector.shape_cast %get3A_220 : vector<1x16xf32> to vector<16xf32>
      %add3A_222 = arith.addf %add3A_198, %get3A_221 : vector<16xf32>
      %get3A_223 = arith.constant 42 : i32
      %get3A_224 = arith.index_cast %get3A_223 : i32 to index
      %get3A_225 = arith.constant 0 : index
      %get3A_226 = tpu.vector_load %arg4[%get3A_224, %get3A_225] {strides = array<i32>} : memref<128x16xf32, #tpu.memory_space<vmem>>, vector<1x16xf32>,
      %get3A_227 = vector.shape_cast %get3A_226 : vector<1x16xf32> to vector<16xf32>
      %add3A_228 = arith.addf %add3A_204, %get3A_227 : vector<16xf32>
      %get3A_229 = arith.constant 43 : i32
      %get3A_230 = arith.index_cast %get3A_229 : i32 to index
      %get3A_231 = arith.constant 0 : index
      %get3A_232 = tpu.vector_load %arg4[%get3A_230, %get3A_231] {strides = array<i32>} : memref<128x16xf32, #tpu.memory_space<vmem>>, vector<1x16xf32>,
      %get3A_233 = vector.shape_cast %get3A_232 : vector<1x16xf32> to vector<16xf32>
      %add3A_234 = arith.addf %add3A_210, %get3A_233 : vector<16xf32>
      %get3A_235 = arith.constant 44 : i32
      %get3A_236 = arith.index_cast %get3A_235 : i32 to index
      %get3A_237 = arith.constant 0 : index
      %get3A_238 = tpu.vector_load %arg4[%get3A_236, %get3A_237] {strides = array<i32>} : memref<128x16xf32, #tpu.memory_space<vmem>>, vector<1x16xf32>,
      %get3A_239 = vector.shape_cast %get3A_238 : vector<1x16xf32> to vector<16xf32>
      %add3A_240 = arith.addf %add3A_216, %get3A_239 : vector<16xf32>
      %get3A_241 = arith.constant 45 : i32
      %get3A_242 = arith.index_cast %get3A_241 : i32 to index
      %get3A_243 = arith.constant 0 : index
      %get3A_244 = tpu.vector_load %arg4[%get3A_242, %get3A_243] {strides = array<i32>} : memref<128x16xf32, #tpu.memory_space<vmem>>, vector<1x16xf32>,
      %get3A_245 = vector.shape_cast %get3A_244 : vector<1x16xf32> to vector<16xf32>
      %add3A_246 = arith.addf %add3A_222, %get3A_245 : vector<16xf32>
      %get3A_247 = arith.constant 46 : i32
      %get3A_248 = arith.index_cast %get3A_247 : i32 to index
      %get3A_249 = arith.constant 0 : index
      %get3A_250 = tpu.vector_load %arg4[%get3A_248, %get3A_249] {strides = array<i32>} : memref<128x16xf32, #tpu.memory_space<vmem>>, vector<1x16xf32>,
      %get3A_251 = vector.shape_cast %get3A_250 : vector<1x16xf32> to vector<16xf32>
      %add3A_252 = arith.addf %add3A_228, %get3A_251 : vector<16xf32>
      %get3A_253 = arith.constant 47 : i32
      %get3A_254 = arith.index_cast %get3A_253 : i32 to index
      %get3A_255 = arith.constant 0 : index
      %get3A_256 = tpu.vector_load %arg4[%get3A_254, %get3A_255] {strides = array<i32>} : memref<128x16xf32, #tpu.memory_space<vmem>>, vector<1x16xf32>,
      %get3A_257 = vector.shape_cast %get3A_256 : vector<1x16xf32> to vector<16xf32>
      %add3A_258 = arith.addf %add3A_234, %get3A_257 : vector<16xf32>
      %get3A_259 = arith.constant 48 : i32
      %get3A_260 = arith.index_cast %get3A_259 : i32 to index
      %get3A_261 = arith.constant 0 : index
      %get3A_262 = tpu.vector_load %arg4[%get3A_260, %get3A_261] {strides = array<i32>} : memref<128x16xf32, #tpu.memory_space<vmem>>, vector<1x16xf32>,
      %get3A_263 = vector.shape_cast %get3A_262 : vector<1x16xf32> to vector<16xf32>
      %add3A_264 = arith.addf %add3A_240, %get3A_263 : vector<16xf32>
      %get3A_265 = arith.constant 49 : i32
      %get3A_266 = arith.index_cast %get3A_265 : i32 to index
      %get3A_267 = arith.constant 0 : index
      %get3A_268 = tpu.vector_load %arg4[%get3A_266, %get3A_267] {strides = array<i32>} : memref<128x16xf32, #tpu.memory_space<vmem>>, vector<1x16xf32>,
      %get3A_269 = vector.shape_cast %get3A_268 : vector<1x16xf32> to vector<16xf32>
      %add3A_270 = arith.addf %add3A_246, %get3A_269 : vector<16xf32>
      %get3A_271 = arith.constant 50 : i32
      %get3A_272 = arith.index_cast %get3A_271 : i32 to index
      %get3A_273 = arith.constant 0 : index
      %get3A_274 = tpu.vector_load %arg4[%get3A_272, %get3A_273] {strides = array<i32>} : memref<128x16xf32, #tpu.memory_space<vmem>>, vector<1x16xf32>,
      %get3A_275 = vector.shape_cast %get3A_274 : vector<1x16xf32> to vector<16xf32>
      %add3A_276 = arith.addf %add3A_252, %get3A_275 : vector<16xf32>
      %get3A_277 = arith.constant 51 : i32
      %get3A_278 = arith.index_cast %get3A_277 : i32 to index
      %get3A_279 = arith.constant 0 : index
      %get3A_280 = tpu.vector_load %arg4[%get3A_278, %get3A_279] {strides = array<i32>} : memref<128x16xf32, #tpu.memory_space<vmem>>, vector<1x16xf32>,
      %get3A_281 = vector.shape_cast %get3A_280 : vector<1x16xf32> to vector<16xf32>
      %add3A_282 = arith.addf %add3A_258, %get3A_281 : vector<16xf32>
      %get3A_283 = arith.constant 52 : i32
      %get3A_284 = arith.index_cast %get3A_283 : i32 to index
      %get3A_285 = arith.constant 0 : index
      %get3A_286 = tpu.vector_load %arg4[%get3A_284, %get3A_285] {strides = array<i32>} : memref<128x16xf32, #tpu.memory_space<vmem>>, vector<1x16xf32>,
      %get3A_287 = vector.shape_cast %get3A_286 : vector<1x16xf32> to vector<16xf32>
      %add3A_288 = arith.addf %add3A_264, %get3A_287 : vector<16xf32>
      %get3A_289 = arith.constant 53 : i32
      %get3A_290 = arith.index_cast %get3A_289 : i32 to index
      %get3A_291 = arith.constant 0 : index
      %get3A_292 = tpu.vector_load %arg4[%get3A_290, %get3A_291] {strides = array<i32>} : memref<128x16xf32, #tpu.memory_space<vmem>>, vector<1x16xf32>,
      %get3A_293 = vector.shape_cast %get3A_292 : vector<1x16xf32> to vector<16xf32>
      %add3A_294 = arith.addf %add3A_270, %get3A_293 : vector<16xf32>
      %get3A_295 = arith.constant 54 : i32
      %get3A_296 = arith.index_cast %get3A_295 : i32 to index
      %get3A_297 = arith.constant 0 : index
      %get3A_298 = tpu.vector_load %arg4[%get3A_296, %get3A_297] {strides = array<i32>} : memref<128x16xf32, #tpu.memory_space<vmem>>, vector<1x16xf32>,
      %get3A_299 = vector.shape_cast %get3A_298 : vector<1x16xf32> to vector<16xf32>
      %add3A_300 = arith.addf %add3A_276, %get3A_299 : vector<16xf32>
      %get3A_301 = arith.constant 55 : i32
      %get3A_302 = arith.index_cast %get3A_301 : i32 to index
      %get3A_303 = arith.constant 0 : index
      %get3A_304 = tpu.vector_load %arg4[%get3A_302, %get3A_303] {strides = array<i32>} : memref<128x16xf32, #tpu.memory_space<vmem>>, vector<1x16xf32>,
      %get3A_305 = vector.shape_cast %get3A_304 : vector<1x16xf32> to vector<16xf32>
      %add3A_306 = arith.addf %add3A_282, %get3A_305 : vector<16xf32>
      %get3A_307 = arith.constant 56 : i32
      %get3A_308 = arith.index_cast %get3A_307 : i32 to index
      %get3A_309 = arith.constant 0 : index
      %get3A_310 = tpu.vector_load %arg4[%get3A_308, %get3A_309] {strides = array<i32>} : memref<128x16xf32, #tpu.memory_space<vmem>>, vector<1x16xf32>,
      %get3A_311 = vector.shape_cast %get3A_310 : vector<1x16xf32> to vector<16xf32>
      %add3A_312 = arith.addf %add3A_288, %get3A_311 : vector<16xf32>
      %get3A_313 = arith.constant 57 : i32
      %get3A_314 = arith.index_cast %get3A_313 : i32 to index
      %get3A_315 = arith.constant 0 : index
      %get3A_316 = tpu.vector_load %arg4[%get3A_314, %get3A_315] {strides = array<i32>} : memref<128x16xf32, #tpu.memory_space<vmem>>, vector<1x16xf32>,
      %get3A_317 = vector.shape_cast %get3A_316 : vector<1x16xf32> to vector<16xf32>
      %add3A_318 = arith.addf %add3A_294, %get3A_317 : vector<16xf32>
      %get3A_319 = arith.constant 58 : i32
      %get3A_320 = arith.index_cast %get3A_319 : i32 to index
      %get3A_321 = arith.constant 0 : index
      %get3A_322 = tpu.vector_load %arg4[%get3A_320, %get3A_321] {strides = array<i32>} : memref<128x16xf32, #tpu.memory_space<vmem>>, vector<1x16xf32>,
      %get3A_323 = vector.shape_cast %get3A_322 : vector<1x16xf32> to vector<16xf32>
      %add3A_324 = arith.addf %add3A_300, %get3A_323 : vector<16xf32>
      %get3A_325 = arith.constant 59 : i32
      %get3A_326 = arith.index_cast %get3A_325 : i32 to index
      %get3A_327 = arith.constant 0 : index
      %get3A_328 = tpu.vector_load %arg4[%get3A_326, %get3A_327] {strides = array<i32>} : memref<128x16xf32, #tpu.memory_space<vmem>>, vector<1x16xf32>,
      %get3A_329 = vector.shape_cast %get3A_328 : vector<1x16xf32> to vector<16xf32>
      %add3A_330 = arith.addf %add3A_306, %get3A_329 : vector<16xf32>
      %get3A_331 = arith.constant 60 : i32
      %get3A_332 = arith.index_cast %get3A_331 : i32 to index
      %get3A_333 = arith.constant 0 : index
      %get3A_334 = tpu.vector_load %arg4[%get3A_332, %get3A_333] {strides = array<i32>} : memref<128x16xf32, #tpu.memory_space<vmem>>, vector<1x16xf32>,
      %get3A_335 = vector.shape_cast %get3A_334 : vector<1x16xf32> to vector<16xf32>
      %add3A_336 = arith.addf %add3A_312, %get3A_335 : vector<16xf32>
      %get3A_337 = arith.constant 61 : i32
      %get3A_338 = arith.index_cast %get3A_337 : i32 to index
      %get3A_339 = arith.constant 0 : index
      %get3A_340 = tpu.vector_load %arg4[%get3A_338, %get3A_339] {strides = array<i32>} : memref<128x16xf32, #tpu.memory_space<vmem>>, vector<1x16xf32>,
      %get3A_341 = vector.shape_cast %get3A_340 : vector<1x16xf32> to vector<16xf32>
      %add3A_342 = arith.addf %add3A_318, %get3A_341 : vector<16xf32>
      %get3A_343 = arith.constant 62 : i32
      %get3A_344 = arith.index_cast %get3A_343 : i32 to index
      %get3A_345 = arith.constant 0 : index
      %get3A_346 = tpu.vector_load %arg4[%get3A_344, %get3A_345] {strides = array<i32>} : memref<128x16xf32, #tpu.memory_space<vmem>>, vector<1x16xf32>,
      %get3A_347 = vector.shape_cast %get3A_346 : vector<1x16xf32> to vector<16xf32>
      %add3A_348 = arith.addf %add3A_324, %get3A_347 : vector<16xf32>
      %get3A_349 = arith.constant 63 : i32
      %get3A_350 = arith.index_cast %get3A_349 : i32 to index
      %get3A_351 = arith.constant 0 : index
      %get3A_352 = tpu.vector_load %arg4[%get3A_350, %get3A_351] {strides = array<i32>} : memref<128x16xf32, #tpu.memory_space<vmem>>, vector<1x16xf32>,
      %get3A_353 = vector.shape_cast %get3A_352 : vector<1x16xf32> to vector<16xf32>
      %add3A_354 = arith.addf %add3A_330, %get3A_353 : vector<16xf32>
      %get3A_355 = arith.constant 64 : i32
      %get3A_356 = arith.index_cast %get3A_355 : i32 to index
      %get3A_357 = arith.constant 0 : index
      %get3A_358 = tpu.vector_load %arg4[%get3A_356, %get3A_357] {strides = array<i32>} : memref<128x16xf32, #tpu.memory_space<vmem>>, vector<1x16xf32>,
      %get3A_359 = vector.shape_cast %get3A_358 : vector<1x16xf32> to vector<16xf32>
      %add3A_360 = arith.addf %add3A_336, %get3A_359 : vector<16xf32>
      %get3A_361 = arith.constant 65 : i32
      %get3A_362 = arith.index_cast %get3A_361 : i32 to index
      %get3A_363 = arith.constant 0 : index
      %get3A_364 = tpu.vector_load %arg4[%get3A_362, %get3A_363] {strides = array<i32>} : memref<128x16xf32, #tpu.memory_space<vmem>>, vector<1x16xf32>,
      %get3A_365 = vector.shape_cast %get3A_364 : vector<1x16xf32> to vector<16xf32>
      %add3A_366 = arith.addf %add3A_342, %get3A_365 : vector<16xf32>
      %get3A_367 = arith.constant 66 : i32
      %get3A_368 = arith.index_cast %get3A_367 : i32 to index
      %get3A_369 = arith.constant 0 : index
      %get3A_370 = tpu.vector_load %arg4[%get3A_368, %get3A_369] {strides = array<i32>} : memref<128x16xf32, #tpu.memory_space<vmem>>, vector<1x16xf32>,
      %get3A_371 = vector.shape_cast %get3A_370 : vector<1x16xf32> to vector<16xf32>
      %add3A_372 = arith.addf %add3A_348, %get3A_371 : vector<16xf32>
      %get3A_373 = arith.constant 67 : i32
      %get3A_374 = arith.index_cast %get3A_373 : i32 to index
      %get3A_375 = arith.constant 0 : index
      %get3A_376 = tpu.vector_load %arg4[%get3A_374, %get3A_375] {strides = array<i32>} : memref<128x16xf32, #tpu.memory_space<vmem>>, vector<1x16xf32>,
      %get3A_377 = vector.shape_cast %get3A_376 : vector<1x16xf32> to vector<16xf32>
      %add3A_378 = arith.addf %add3A_354, %get3A_377 : vector<16xf32>
      %get3A_379 = arith.constant 68 : i32
      %get3A_380 = arith.index_cast %get3A_379 : i32 to index
      %get3A_381 = arith.constant 0 : index
      %get3A_382 = tpu.vector_load %arg4[%get3A_380, %get3A_381] {strides = array<i32>} : memref<128x16xf32, #tpu.memory_space<vmem>>, vector<1x16xf32>,
      %get3A_383 = vector.shape_cast %get3A_382 : vector<1x16xf32> to vector<16xf32>
      %add3A_384 = arith.addf %add3A_360, %get3A_383 : vector<16xf32>
      %get3A_385 = arith.constant 69 : i32
      %get3A_386 = arith.index_cast %get3A_385 : i32 to index
      %get3A_387 = arith.constant 0 : index
      %get3A_388 = tpu.vector_load %arg4[%get3A_386, %get3A_387] {strides = array<i32>} : memref<128x16xf32, #tpu.memory_space<vmem>>, vector<1x16xf32>,
      %get3A_389 = vector.shape_cast %get3A_388 : vector<1x16xf32> to vector<16xf32>
      %add3A_390 = arith.addf %add3A_366, %get3A_389 : vector<16xf32>
      %get3A_391 = arith.constant 70 : i32
      %get3A_392 = arith.index_cast %get3A_391 : i32 to index
      %get3A_393 = arith.constant 0 : index
      %get3A_394 = tpu.vector_load %arg4[%get3A_392, %get3A_393] {strides = array<i32>} : memref<128x16xf32, #tpu.memory_space<vmem>>, vector<1x16xf32>,
      %get3A_395 = vector.shape_cast %get3A_394 : vector<1x16xf32> to vector<16xf32>
      %add3A_396 = arith.addf %add3A_372, %get3A_395 : vector<16xf32>
      %get3A_397 = arith.constant 71 : i32
      %get3A_398 = arith.index_cast %get3A_397 : i32 to index
      %get3A_399 = arith.constant 0 : index
      %get3A_400 = tpu.vector_load %arg4[%get3A_398, %get3A_399] {strides = array<i32>} : memref<128x16xf32, #tpu.memory_space<vmem>>, vector<1x16xf32>,
      %get3A_401 = vector.shape_cast %get3A_400 : vector<1x16xf32> to vector<16xf32>
      %add3A_402 = arith.addf %add3A_378, %get3A_401 : vector<16xf32>
      %get3A_403 = arith.constant 72 : i32
      %get3A_404 = arith.index_cast %get3A_403 : i32 to index
      %get3A_405 = arith.constant 0 : index
      %get3A_406 = tpu.vector_load %arg4[%get3A_404, %get3A_405] {strides = array<i32>} : memref<128x16xf32, #tpu.memory_space<vmem>>, vector<1x16xf32>,
      %get3A_407 = vector.shape_cast %get3A_406 : vector<1x16xf32> to vector<16xf32>
      %add3A_408 = arith.addf %add3A_384, %get3A_407 : vector<16xf32>
      %get3A_409 = arith.constant 73 : i32
      %get3A_410 = arith.index_cast %get3A_409 : i32 to index
      %get3A_411 = arith.constant 0 : index
      %get3A_412 = tpu.vector_load %arg4[%get3A_410, %get3A_411] {strides = array<i32>} : memref<128x16xf32, #tpu.memory_space<vmem>>, vector<1x16xf32>,
      %get3A_413 = vector.shape_cast %get3A_412 : vector<1x16xf32> to vector<16xf32>
      %add3A_414 = arith.addf %add3A_390, %get3A_413 : vector<16xf32>
      %get3A_415 = arith.constant 74 : i32
      %get3A_416 = arith.index_cast %get3A_415 : i32 to index
      %get3A_417 = arith.constant 0 : index
      %get3A_418 = tpu.vector_load %arg4[%get3A_416, %get3A_417] {strides = array<i32>} : memref<128x16xf32, #tpu.memory_space<vmem>>, vector<1x16xf32>,
      %get3A_419 = vector.shape_cast %get3A_418 : vector<1x16xf32> to vector<16xf32>
      %add3A_420 = arith.addf %add3A_396, %get3A_419 : vector<16xf32>
      %get3A_421 = arith.constant 75 : i32
      %get3A_422 = arith.index_cast %get3A_421 : i32 to index
      %get3A_423 = arith.constant 0 : index
      %get3A_424 = tpu.vector_load %arg4[%get3A_422, %get3A_423] {strides = array<i32>} : memref<128x16xf32, #tpu.memory_space<vmem>>, vector<1x16xf32>,
      %get3A_425 = vector.shape_cast %get3A_424 : vector<1x16xf32> to vector<16xf32>
      %add3A_426 = arith.addf %add3A_402, %get3A_425 : vector<16xf32>
      %get3A_427 = arith.constant 76 : i32
      %get3A_428 = arith.index_cast %get3A_427 : i32 to index
      %get3A_429 = arith.constant 0 : index
      %get3A_430 = tpu.vector_load %arg4[%get3A_428, %get3A_429] {strides = array<i32>} : memref<128x16xf32, #tpu.memory_space<vmem>>, vector<1x16xf32>,
      %get3A_431 = vector.shape_cast %get3A_430 : vector<1x16xf32> to vector<16xf32>
      %add3A_432 = arith.addf %add3A_408, %get3A_431 : vector<16xf32>
      %get3A_433 = arith.constant 77 : i32
      %get3A_434 = arith.index_cast %get3A_433 : i32 to index
      %get3A_435 = arith.constant 0 : index
      %get3A_436 = tpu.vector_load %arg4[%get3A_434, %get3A_435] {strides = array<i32>} : memref<128x16xf32, #tpu.memory_space<vmem>>, vector<1x16xf32>,
      %get3A_437 = vector.shape_cast %get3A_436 : vector<1x16xf32> to vector<16xf32>
      %add3A_438 = arith.addf %add3A_414, %get3A_437 : vector<16xf32>
      %get3A_439 = arith.constant 78 : i32
      %get3A_440 = arith.index_cast %get3A_439 : i32 to index
      %get3A_441 = arith.constant 0 : index
      %get3A_442 = tpu.vector_load %arg4[%get3A_440, %get3A_441] {strides = array<i32>} : memref<128x16xf32, #tpu.memory_space<vmem>>, vector<1x16xf32>,
      %get3A_443 = vector.shape_cast %get3A_442 : vector<1x16xf32> to vector<16xf32>
      %add3A_444 = arith.addf %add3A_420, %get3A_443 : vector<16xf32>
      %get3A_445 = arith.constant 79 : i32
      %get3A_446 = arith.index_cast %get3A_445 : i32 to index
      %get3A_447 = arith.constant 0 : index
      %get3A_448 = tpu.vector_load %arg4[%get3A_446, %get3A_447] {strides = array<i32>} : memref<128x16xf32, #tpu.memory_space<vmem>>, vector<1x16xf32>,
      %get3A_449 = vector.shape_cast %get3A_448 : vector<1x16xf32> to vector<16xf32>
      %add3A_450 = arith.addf %add3A_426, %get3A_449 : vector<16xf32>
      %get3A_451 = arith.constant 80 : i32
      %get3A_452 = arith.index_cast %get3A_451 : i32 to index
      %get3A_453 = arith.constant 0 : index
      %get3A_454 = tpu.vector_load %arg4[%get3A_452, %get3A_453] {strides = array<i32>} : memref<128x16xf32, #tpu.memory_space<vmem>>, vector<1x16xf32>,
      %get3A_455 = vector.shape_cast %get3A_454 : vector<1x16xf32> to vector<16xf32>
      %add3A_456 = arith.addf %add3A_432, %get3A_455 : vector<16xf32>
      %get3A_457 = arith.constant 81 : i32
      %get3A_458 = arith.index_cast %get3A_457 : i32 to index
      %get3A_459 = arith.constant 0 : index
      %get3A_460 = tpu.vector_load %arg4[%get3A_458, %get3A_459] {strides = array<i32>} : memref<128x16xf32, #tpu.memory_space<vmem>>, vector<1x16xf32>,
      %get3A_461 = vector.shape_cast %get3A_460 : vector<1x16xf32> to vector<16xf32>
      %add3A_462 = arith.addf %add3A_438, %get3A_461 : vector<16xf32>
      %get3A_463 = arith.constant 82 : i32
      %get3A_464 = arith.index_cast %get3A_463 : i32 to index
      %get3A_465 = arith.constant 0 : index
      %get3A_466 = tpu.vector_load %arg4[%get3A_464, %get3A_465] {strides = array<i32>} : memref<128x16xf32, #tpu.memory_space<vmem>>, vector<1x16xf32>,
      %get3A_467 = vector.shape_cast %get3A_466 : vector<1x16xf32> to vector<16xf32>
      %add3A_468 = arith.addf %add3A_444, %get3A_467 : vector<16xf32>
      %get3A_469 = arith.constant 83 : i32
      %get3A_470 = arith.index_cast %get3A_469 : i32 to index
      %get3A_471 = arith.constant 0 : index
      %get3A_472 = tpu.vector_load %arg4[%get3A_470, %get3A_471] {strides = array<i32>} : memref<128x16xf32, #tpu.memory_space<vmem>>, vector<1x16xf32>,
      %get3A_473 = vector.shape_cast %get3A_472 : vector<1x16xf32> to vector<16xf32>
      %add3A_474 = arith.addf %add3A_450, %get3A_473 : vector<16xf32>
      %get3A_475 = arith.constant 84 : i32
      %get3A_476 = arith.index_cast %get3A_475 : i32 to index
      %get3A_477 = arith.constant 0 : index
      %get3A_478 = tpu.vector_load %arg4[%get3A_476, %get3A_477] {strides = array<i32>} : memref<128x16xf32, #tpu.memory_space<vmem>>, vector<1x16xf32>,
      %get3A_479 = vector.shape_cast %get3A_478 : vector<1x16xf32> to vector<16xf32>
      %add3A_480 = arith.addf %add3A_456, %get3A_479 : vector<16xf32>
      %get3A_481 = arith.constant 85 : i32
      %get3A_482 = arith.index_cast %get3A_481 : i32 to index
      %get3A_483 = arith.constant 0 : index
      %get3A_484 = tpu.vector_load %arg4[%get3A_482, %get3A_483] {strides = array<i32>} : memref<128x16xf32, #tpu.memory_space<vmem>>, vector<1x16xf32>,
      %get3A_485 = vector.shape_cast %get3A_484 : vector<1x16xf32> to vector<16xf32>
      %add3A_486 = arith.addf %add3A_462, %get3A_485 : vector<16xf32>
      %get3A_487 = arith.constant 86 : i32
      %get3A_488 = arith.index_cast %get3A_487 : i32 to index
      %get3A_489 = arith.constant 0 : index
      %get3A_490 = tpu.vector_load %arg4[%get3A_488, %get3A_489] {strides = array<i32>} : memref<128x16xf32, #tpu.memory_space<vmem>>, vector<1x16xf32>,
      %get3A_491 = vector.shape_cast %get3A_490 : vector<1x16xf32> to vector<16xf32>
      %add3A_492 = arith.addf %add3A_468, %get3A_491 : vector<16xf32>
      %get3A_493 = arith.constant 87 : i32
      %get3A_494 = arith.index_cast %get3A_493 : i32 to index
      %get3A_495 = arith.constant 0 : index
      %get3A_496 = tpu.vector_load %arg4[%get3A_494, %get3A_495] {strides = array<i32>} : memref<128x16xf32, #tpu.memory_space<vmem>>, vector<1x16xf32>,
      %get3A_497 = vector.shape_cast %get3A_496 : vector<1x16xf32> to vector<16xf32>
      %add3A_498 = arith.addf %add3A_474, %get3A_497 : vector<16xf32>
      %get3A_499 = arith.constant 88 : i32
      %get3A_500 = arith.index_cast %get3A_499 : i32 to index
      %get3A_501 = arith.constant 0 : index
      %get3A_502 = tpu.vector_load %arg4[%get3A_500, %get3A_501] {strides = array<i32>} : memref<128x16xf32, #tpu.memory_space<vmem>>, vector<1x16xf32>,
      %get3A_503 = vector.shape_cast %get3A_502 : vector<1x16xf32> to vector<16xf32>
      %add3A_504 = arith.addf %add3A_480, %get3A_503 : vector<16xf32>
      %get3A_505 = arith.constant 89 : i32
      %get3A_506 = arith.index_cast %get3A_505 : i32 to index
      %get3A_507 = arith.constant 0 : index
      %get3A_508 = tpu.vector_load %arg4[%get3A_506, %get3A_507] {strides = array<i32>} : memref<128x16xf32, #tpu.memory_space<vmem>>, vector<1x16xf32>,
      %get3A_509 = vector.shape_cast %get3A_508 : vector<1x16xf32> to vector<16xf32>
      %add3A_510 = arith.addf %add3A_486, %get3A_509 : vector<16xf32>
      %get3A_511 = arith.constant 90 : i32
      %get3A_512 = arith.index_cast %get3A_511 : i32 to index
      %get3A_513 = arith.constant 0 : index
      %get3A_514 = tpu.vector_load %arg4[%get3A_512, %get3A_513] {strides = array<i32>} : memref<128x16xf32, #tpu.memory_space<vmem>>, vector<1x16xf32>,
      %get3A_515 = vector.shape_cast %get3A_514 : vector<1x16xf32> to vector<16xf32>
      %add3A_516 = arith.addf %add3A_492, %get3A_515 : vector<16xf32>
      %get3A_517 = arith.constant 91 : i32
      %get3A_518 = arith.index_cast %get3A_517 : i32 to index
      %get3A_519 = arith.constant 0 : index
      %get3A_520 = tpu.vector_load %arg4[%get3A_518, %get3A_519] {strides = array<i32>} : memref<128x16xf32, #tpu.memory_space<vmem>>, vector<1x16xf32>,
      %get3A_521 = vector.shape_cast %get3A_520 : vector<1x16xf32> to vector<16xf32>
      %add3A_522 = arith.addf %add3A_498, %get3A_521 : vector<16xf32>
      %get3A_523 = arith.constant 92 : i32
      %get3A_524 = arith.index_cast %get3A_523 : i32 to index
      %get3A_525 = arith.constant 0 : index
      %get3A_526 = tpu.vector_load %arg4[%get3A_524, %get3A_525] {strides = array<i32>} : memref<128x16xf32, #tpu.memory_space<vmem>>, vector<1x16xf32>,
      %get3A_527 = vector.shape_cast %get3A_526 : vector<1x16xf32> to vector<16xf32>
      %add3A_528 = arith.addf %add3A_504, %get3A_527 : vector<16xf32>
      %get3A_529 = arith.constant 93 : i32
      %get3A_530 = arith.index_cast %get3A_529 : i32 to index
      %get3A_531 = arith.constant 0 : index
      %get3A_532 = tpu.vector_load %arg4[%get3A_530, %get3A_531] {strides = array<i32>} : memref<128x16xf32, #tpu.memory_space<vmem>>, vector<1x16xf32>,
      %get3A_533 = vector.shape_cast %get3A_532 : vector<1x16xf32> to vector<16xf32>
      %add3A_534 = arith.addf %add3A_510, %get3A_533 : vector<16xf32>
      %get3A_535 = arith.constant 94 : i32
      %get3A_536 = arith.index_cast %get3A_535 : i32 to index
      %get3A_537 = arith.constant 0 : index
      %get3A_538 = tpu.vector_load %arg4[%get3A_536, %get3A_537] {strides = array<i32>} : memref<128x16xf32, #tpu.memory_space<vmem>>, vector<1x16xf32>,
      %get3A_539 = vector.shape_cast %get3A_538 : vector<1x16xf32> to vector<16xf32>
      %add3A_540 = arith.addf %add3A_516, %get3A_539 : vector<16xf32>
      %get3A_541 = arith.constant 95 : i32
      %get3A_542 = arith.index_cast %get3A_541 : i32 to index
      %get3A_543 = arith.constant 0 : index
      %get3A_544 = tpu.vector_load %arg4[%get3A_542, %get3A_543] {strides = array<i32>} : memref<128x16xf32, #tpu.memory_space<vmem>>, vector<1x16xf32>,
      %get3A_545 = vector.shape_cast %get3A_544 : vector<1x16xf32> to vector<16xf32>
      %add3A_546 = arith.addf %add3A_522, %get3A_545 : vector<16xf32>
      %get3A_547 = arith.constant 96 : i32
      %get3A_548 = arith.index_cast %get3A_547 : i32 to index
      %get3A_549 = arith.constant 0 : index
      %get3A_550 = tpu.vector_load %arg4[%get3A_548, %get3A_549] {strides = array<i32>} : memref<128x16xf32, #tpu.memory_space<vmem>>, vector<1x16xf32>,
      %get3A_551 = vector.shape_cast %get3A_550 : vector<1x16xf32> to vector<16xf32>
      %add3A_552 = arith.addf %add3A_528, %get3A_551 : vector<16xf32>
      %get3A_553 = arith.constant 97 : i32
      %get3A_554 = arith.index_cast %get3A_553 : i32 to index
      %get3A_555 = arith.constant 0 : index
      %get3A_556 = tpu.vector_load %arg4[%get3A_554, %get3A_555] {strides = array<i32>} : memref<128x16xf32, #tpu.memory_space<vmem>>, vector<1x16xf32>,
      %get3A_557 = vector.shape_cast %get3A_556 : vector<1x16xf32> to vector<16xf32>
      %add3A_558 = arith.addf %add3A_534, %get3A_557 : vector<16xf32>
      %get3A_559 = arith.constant 98 : i32
      %get3A_560 = arith.index_cast %get3A_559 : i32 to index
      %get3A_561 = arith.constant 0 : index
      %get3A_562 = tpu.vector_load %arg4[%get3A_560, %get3A_561] {strides = array<i32>} : memref<128x16xf32, #tpu.memory_space<vmem>>, vector<1x16xf32>,
      %get3A_563 = vector.shape_cast %get3A_562 : vector<1x16xf32> to vector<16xf32>
      %add3A_564 = arith.addf %add3A_540, %get3A_563 : vector<16xf32>
      %get3A_565 = arith.constant 99 : i32
      %get3A_566 = arith.index_cast %get3A_565 : i32 to index
      %get3A_567 = arith.constant 0 : index
      %get3A_568 = tpu.vector_load %arg4[%get3A_566, %get3A_567] {strides = array<i32>} : memref<128x16xf32, #tpu.memory_space<vmem>>, vector<1x16xf32>,
      %get3A_569 = vector.shape_cast %get3A_568 : vector<1x16xf32> to vector<16xf32>
      %add3A_570 = arith.addf %add3A_546, %get3A_569 : vector<16xf32>
      %get3A_571 = arith.constant 100 : i32
      %get3A_572 = arith.index_cast %get3A_571 : i32 to index
      %get3A_573 = arith.constant 0 : index
      %get3A_574 = tpu.vector_load %arg4[%get3A_572, %get3A_573] {strides = array<i32>} : memref<128x16xf32, #tpu.memory_space<vmem>>, vector<1x16xf32>,
      %get3A_575 = vector.shape_cast %get3A_574 : vector<1x16xf32> to vector<16xf32>
      %add3A_576 = arith.addf %add3A_552, %get3A_575 : vector<16xf32>
      %get3A_577 = arith.constant 101 : i32
      %get3A_578 = arith.index_cast %get3A_577 : i32 to index
      %get3A_579 = arith.constant 0 : index
      %get3A_580 = tpu.vector_load %arg4[%get3A_578, %get3A_579] {strides = array<i32>} : memref<128x16xf32, #tpu.memory_space<vmem>>, vector<1x16xf32>,
      %get3A_581 = vector.shape_cast %get3A_580 : vector<1x16xf32> to vector<16xf32>
      %add3A_582 = arith.addf %add3A_558, %get3A_581 : vector<16xf32>
      %get3A_583 = arith.constant 102 : i32
      %get3A_584 = arith.index_cast %get3A_583 : i32 to index
      %get3A_585 = arith.constant 0 : index
      %get3A_586 = tpu.vector_load %arg4[%get3A_584, %get3A_585] {strides = array<i32>} : memref<128x16xf32, #tpu.memory_space<vmem>>, vector<1x16xf32>,
      %get3A_587 = vector.shape_cast %get3A_586 : vector<1x16xf32> to vector<16xf32>
      %add3A_588 = arith.addf %add3A_564, %get3A_587 : vector<16xf32>
      %get3A_589 = arith.constant 103 : i32
      %get3A_590 = arith.index_cast %get3A_589 : i32 to index
      %get3A_591 = arith.constant 0 : index
      %get3A_592 = tpu.vector_load %arg4[%get3A_590, %get3A_591] {strides = array<i32>} : memref<128x16xf32, #tpu.memory_space<vmem>>, vector<1x16xf32>,
      %get3A_593 = vector.shape_cast %get3A_592 : vector<1x16xf32> to vector<16xf32>
      %add3A_594 = arith.addf %add3A_570, %get3A_593 : vector<16xf32>
      %get3A_595 = arith.constant 104 : i32
      %get3A_596 = arith.index_cast %get3A_595 : i32 to index
      %get3A_597 = arith.constant 0 : index
      %get3A_598 = tpu.vector_load %arg4[%get3A_596, %get3A_597] {strides = array<i32>} : memref<128x16xf32, #tpu.memory_space<vmem>>, vector<1x16xf32>,
      %get3A_599 = vector.shape_cast %get3A_598 : vector<1x16xf32> to vector<16xf32>
      %add3A_600 = arith.addf %add3A_576, %get3A_599 : vector<16xf32>
      %get3A_601 = arith.constant 105 : i32
      %get3A_602 = arith.index_cast %get3A_601 : i32 to index
      %get3A_603 = arith.constant 0 : index
      %get3A_604 = tpu.vector_load %arg4[%get3A_602, %get3A_603] {strides = array<i32>} : memref<128x16xf32, #tpu.memory_space<vmem>>, vector<1x16xf32>,
      %get3A_605 = vector.shape_cast %get3A_604 : vector<1x16xf32> to vector<16xf32>
      %add3A_606 = arith.addf %add3A_582, %get3A_605 : vector<16xf32>
      %get3A_607 = arith.constant 106 : i32
      %get3A_608 = arith.index_cast %get3A_607 : i32 to index
      %get3A_609 = arith.constant 0 : index
      %get3A_610 = tpu.vector_load %arg4[%get3A_608, %get3A_609] {strides = array<i32>} : memref<128x16xf32, #tpu.memory_space<vmem>>, vector<1x16xf32>,
      %get3A_611 = vector.shape_cast %get3A_610 : vector<1x16xf32> to vector<16xf32>
      %add3A_612 = arith.addf %add3A_588, %get3A_611 : vector<16xf32>
      %get3A_613 = arith.constant 107 : i32
      %get3A_614 = arith.index_cast %get3A_613 : i32 to index
      %get3A_615 = arith.constant 0 : index
      %get3A_616 = tpu.vector_load %arg4[%get3A_614, %get3A_615] {strides = array<i32>} : memref<128x16xf32, #tpu.memory_space<vmem>>, vector<1x16xf32>,
      %get3A_617 = vector.shape_cast %get3A_616 : vector<1x16xf32> to vector<16xf32>
      %add3A_618 = arith.addf %add3A_594, %get3A_617 : vector<16xf32>
      %get3A_619 = arith.constant 108 : i32
      %get3A_620 = arith.index_cast %get3A_619 : i32 to index
      %get3A_621 = arith.constant 0 : index
      %get3A_622 = tpu.vector_load %arg4[%get3A_620, %get3A_621] {strides = array<i32>} : memref<128x16xf32, #tpu.memory_space<vmem>>, vector<1x16xf32>,
      %get3A_623 = vector.shape_cast %get3A_622 : vector<1x16xf32> to vector<16xf32>
      %add3A_624 = arith.addf %add3A_600, %get3A_623 : vector<16xf32>
      %get3A_625 = arith.constant 109 : i32
      %get3A_626 = arith.index_cast %get3A_625 : i32 to index
      %get3A_627 = arith.constant 0 : index
      %get3A_628 = tpu.vector_load %arg4[%get3A_626, %get3A_627] {strides = array<i32>} : memref<128x16xf32, #tpu.memory_space<vmem>>, vector<1x16xf32>,
      %get3A_629 = vector.shape_cast %get3A_628 : vector<1x16xf32> to vector<16xf32>
      %add3A_630 = arith.addf %add3A_606, %get3A_629 : vector<16xf32>
      %get3A_631 = arith.constant 110 : i32
      %get3A_632 = arith.index_cast %get3A_631 : i32 to index
      %get3A_633 = arith.constant 0 : index
      %get3A_634 = tpu.vector_load %arg4[%get3A_632, %get3A_633] {strides = array<i32>} : memref<128x16xf32, #tpu.memory_space<vmem>>, vector<1x16xf32>,
      %get3A_635 = vector.shape_cast %get3A_634 : vector<1x16xf32> to vector<16xf32>
      %add3A_636 = arith.addf %add3A_612, %get3A_635 : vector<16xf32>
      %get3A_637 = arith.constant 111 : i32
      %get3A_638 = arith.index_cast %get3A_637 : i32 to index
      %get3A_639 = arith.constant 0 : index
      %get3A_640 = tpu.vector_load %arg4[%get3A_638, %get3A_639] {strides = array<i32>} : memref<128x16xf32, #tpu.memory_space<vmem>>, vector<1x16xf32>,
      %get3A_641 = vector.shape_cast %get3A_640 : vector<1x16xf32> to vector<16xf32>
      %add3A_642 = arith.addf %add3A_618, %get3A_641 : vector<16xf32>
      %get3A_643 = arith.constant 112 : i32
      %get3A_644 = arith.index_cast %get3A_643 : i32 to index
      %get3A_645 = arith.constant 0 : index
      %get3A_646 = tpu.vector_load %arg4[%get3A_644, %get3A_645] {strides = array<i32>} : memref<128x16xf32, #tpu.memory_space<vmem>>, vector<1x16xf32>,
      %get3A_647 = vector.shape_cast %get3A_646 : vector<1x16xf32> to vector<16xf32>
      %add3A_648 = arith.addf %add3A_624, %get3A_647 : vector<16xf32>
      %get3A_649 = arith.constant 113 : i32
      %get3A_650 = arith.index_cast %get3A_649 : i32 to index
      %get3A_651 = arith.constant 0 : index
      %get3A_652 = tpu.vector_load %arg4[%get3A_650, %get3A_651] {strides = array<i32>} : memref<128x16xf32, #tpu.memory_space<vmem>>, vector<1x16xf32>,
      %get3A_653 = vector.shape_cast %get3A_652 : vector<1x16xf32> to vector<16xf32>
      %add3A_654 = arith.addf %add3A_630, %get3A_653 : vector<16xf32>
      %get3A_655 = arith.constant 114 : i32
      %get3A_656 = arith.index_cast %get3A_655 : i32 to index
      %get3A_657 = arith.constant 0 : index
      %get3A_658 = tpu.vector_load %arg4[%get3A_656, %get3A_657] {strides = array<i32>} : memref<128x16xf32, #tpu.memory_space<vmem>>, vector<1x16xf32>,
      %get3A_659 = vector.shape_cast %get3A_658 : vector<1x16xf32> to vector<16xf32>
      %add3A_660 = arith.addf %add3A_636, %get3A_659 : vector<16xf32>
      %get3A_661 = arith.constant 115 : i32
      %get3A_662 = arith.index_cast %get3A_661 : i32 to index
      %get3A_663 = arith.constant 0 : index
      %get3A_664 = tpu.vector_load %arg4[%get3A_662, %get3A_663] {strides = array<i32>} : memref<128x16xf32, #tpu.memory_space<vmem>>, vector<1x16xf32>,
      %get3A_665 = vector.shape_cast %get3A_664 : vector<1x16xf32> to vector<16xf32>
      %add3A_666 = arith.addf %add3A_642, %get3A_665 : vector<16xf32>
      %get3A_667 = arith.constant 116 : i32
      %get3A_668 = arith.index_cast %get3A_667 : i32 to index
      %get3A_669 = arith.constant 0 : index
      %get3A_670 = tpu.vector_load %arg4[%get3A_668, %get3A_669] {strides = array<i32>} : memref<128x16xf32, #tpu.memory_space<vmem>>, vector<1x16xf32>,
      %get3A_671 = vector.shape_cast %get3A_670 : vector<1x16xf32> to vector<16xf32>
      %add3A_672 = arith.addf %add3A_648, %get3A_671 : vector<16xf32>
      %get3A_673 = arith.constant 117 : i32
      %get3A_674 = arith.index_cast %get3A_673 : i32 to index
      %get3A_675 = arith.constant 0 : index
      %get3A_676 = tpu.vector_load %arg4[%get3A_674, %get3A_675] {strides = array<i32>} : memref<128x16xf32, #tpu.memory_space<vmem>>, vector<1x16xf32>,
      %get3A_677 = vector.shape_cast %get3A_676 : vector<1x16xf32> to vector<16xf32>
      %add3A_678 = arith.addf %add3A_654, %get3A_677 : vector<16xf32>
      %get3A_679 = arith.constant 118 : i32
      %get3A_680 = arith.index_cast %get3A_679 : i32 to index
      %get3A_681 = arith.constant 0 : index
      %get3A_682 = tpu.vector_load %arg4[%get3A_680, %get3A_681] {strides = array<i32>} : memref<128x16xf32, #tpu.memory_space<vmem>>, vector<1x16xf32>,
      %get3A_683 = vector.shape_cast %get3A_682 : vector<1x16xf32> to vector<16xf32>
      %add3A_684 = arith.addf %add3A_660, %get3A_683 : vector<16xf32>
      %get3A_685 = arith.constant 119 : i32
      %get3A_686 = arith.index_cast %get3A_685 : i32 to index
      %get3A_687 = arith.constant 0 : index
      %get3A_688 = tpu.vector_load %arg4[%get3A_686, %get3A_687] {strides = array<i32>} : memref<128x16xf32, #tpu.memory_space<vmem>>, vector<1x16xf32>,
      %get3A_689 = vector.shape_cast %get3A_688 : vector<1x16xf32> to vector<16xf32>
      %add3A_690 = arith.addf %add3A_666, %get3A_689 : vector<16xf32>
      %get3A_691 = arith.constant 120 : i32
      %get3A_692 = arith.index_cast %get3A_691 : i32 to index
      %get3A_693 = arith.constant 0 : index
      %get3A_694 = tpu.vector_load %arg4[%get3A_692, %get3A_693] {strides = array<i32>} : memref<128x16xf32, #tpu.memory_space<vmem>>, vector<1x16xf32>,
      %get3A_695 = vector.shape_cast %get3A_694 : vector<1x16xf32> to vector<16xf32>
      %add3A_696 = arith.addf %add3A_672, %get3A_695 : vector<16xf32>
      %get3A_697 = arith.constant 121 : i32
      %get3A_698 = arith.index_cast %get3A_697 : i32 to index
      %get3A_699 = arith.constant 0 : index
      %get3A_700 = tpu.vector_load %arg4[%get3A_698, %get3A_699] {strides = array<i32>} : memref<128x16xf32, #tpu.memory_space<vmem>>, vector<1x16xf32>,
      %get3A_701 = vector.shape_cast %get3A_700 : vector<1x16xf32> to vector<16xf32>
      %add3A_702 = arith.addf %add3A_678, %get3A_701 : vector<16xf32>
      %get3A_703 = arith.constant 122 : i32
      %get3A_704 = arith.index_cast %get3A_703 : i32 to index
      %get3A_705 = arith.constant 0 : index
      %get3A_706 = tpu.vector_load %arg4[%get3A_704, %get3A_705] {strides = array<i32>} : memref<128x16xf32, #tpu.memory_space<vmem>>, vector<1x16xf32>,
      %get3A_707 = vector.shape_cast %get3A_706 : vector<1x16xf32> to vector<16xf32>
      %add3A_708 = arith.addf %add3A_684, %get3A_707 : vector<16xf32>
      %get3A_709 = arith.constant 123 : i32
      %get3A_710 = arith.index_cast %get3A_709 : i32 to index
      %get3A_711 = arith.constant 0 : index
      %get3A_712 = tpu.vector_load %arg4[%get3A_710, %get3A_711] {strides = array<i32>} : memref<128x16xf32, #tpu.memory_space<vmem>>, vector<1x16xf32>,
      %get3A_713 = vector.shape_cast %get3A_712 : vector<1x16xf32> to vector<16xf32>
      %add3A_714 = arith.addf %add3A_690, %get3A_713 : vector<16xf32>
      %get3A_715 = arith.constant 124 : i32
      %get3A_716 = arith.index_cast %get3A_715 : i32 to index
      %get3A_717 = arith.constant 0 : index
      %get3A_718 = tpu.vector_load %arg4[%get3A_716, %get3A_717] {strides = array<i32>} : memref<128x16xf32, #tpu.memory_space<vmem>>, vector<1x16xf32>,
      %get3A_719 = vector.shape_cast %get3A_718 : vector<1x16xf32> to vector<16xf32>
      %add3A_720 = arith.addf %add3A_696, %get3A_719 : vector<16xf32>
      %add3A_721 = arith.addf %add3A_720, %add3A_702 : vector<16xf32>
      %add3A_722 = arith.addf %add3A_708, %add3A_714 : vector<16xf32>
      %add3A_723 = arith.addf %add3A_721, %add3A_722 : vector<16xf32>
      %mul3A_724 = arith.constant 0.00847457629 : f32
      %mul3A_725 = vector.broadcast %mul3A_724 : f32 to vector<16xf32>
      %mul3A_726 = arith.mulf %add3A_723, %mul3A_725 : vector<16xf32>
      %swap3A = arith.constant 0 : i32
      %swap3A_727 = arith.index_cast %swap3A : i32 to index
      %swap3A_728 = arith.constant 0 : index
      %swap3A_729 = tpu.vector_load %arg5[%swap3A_727, %swap3A_728] {strides = array<i32>} : memref<8x16xf32, #tpu.memory_space<vmem>>, vector<1x16xf32>,
      %swap3A_730 = vector.shape_cast %swap3A_729 : vector<1x16xf32> to vector<16xf32>
      %swap3A_731 = vector.shape_cast %mul3A_726 : vector<16xf32> to vector<1x16xf32>
      tpu.vector_store %arg5[%swap3A_727, %swap3A_728], %swap3A_731 {strides = array<i32>} : memref<8x16xf32, #tpu.memory_space<vmem>>, vector<1x16xf32>,
      "tpu.region"() ({
        %run_scoped3A = tpu.sem_alloc : memref<!tpu.dma_semaphore, #tpu.memory_space<semaphore_mem>>
        %dma_start3A = arith.constant 0 : i32
        %dma_start3A_732 = arith.constant 0 : i32
        %dma_start3A_733 = tpu.memref_slice %arg5[%dma_start3A, %dma_start3A_732] : memref<8x16xf32, #tpu.memory_space<vmem>> -> memref<8x16xf32, #tpu.memory_space<vmem>>
        %dma_start3A_734 = arith.constant 0 : i32
        %dma_start3A_735 = tpu.memref_slice %arg3[%dma_start3A_734, %mul3A_0] : memref<16x256xf32, #tpu.memory_space<hbm>> -> memref<8x16xf32, #tpu.memory_space<hbm>>
        %dma_start3A_736 = arith.constant 0 : i32
        %dma_start3A_737 = tpu.memref_slice %arg3[%dma_start3A_736, %mul3A_0] : memref<16x256xf32, #tpu.memory_space<hbm>> -> memref<8x16xf32, #tpu.memory_space<hbm>>
        %dma_start3A_738 = arith.constant 0 : i32
        %dma_start3A_739 = arith.constant 0 : i32
        %dma_start3A_740 = tpu.memref_slice %arg5[%dma_start3A_738, %dma_start3A_739] : memref<8x16xf32, #tpu.memory_space<vmem>> -> memref<8x16xf32, #tpu.memory_space<vmem>>
        tpu.enqueue_dma source(%dma_start3A_740 : memref<8x16xf32, #tpu.memory_space<vmem>>) target(%dma_start3A_737 : memref<8x16xf32, #tpu.memory_space<hbm>>) target_semaphore(%run_scoped3A : memref<!tpu.dma_semaphore, #tpu.memory_space<semaphore_mem>>)
        %dma_wait3A = arith.constant 0 : i32
        %dma_wait3A_741 = arith.constant 0 : i32
        %dma_wait3A_742 = tpu.memref_slice %arg5[%dma_wait3A, %dma_wait3A_741] : memref<8x16xf32, #tpu.memory_space<vmem>> -> memref<8x16xf32, #tpu.memory_space<vmem>>
        %dma_wait3A_743 = arith.constant 0 : i32
        %dma_wait3A_744 = tpu.memref_slice %arg3[%dma_wait3A_743, %mul3A_0] : memref<16x256xf32, #tpu.memory_space<hbm>> -> memref<8x16xf32, #tpu.memory_space<hbm>>
        %dma_wait3A_745 = arith.constant 0 : i32
        %dma_wait3A_746 = tpu.memref_slice %arg3[%dma_wait3A_745, %mul3A_0] : memref<16x256xf32, #tpu.memory_space<hbm>> -> memref<8x16xf32, #tpu.memory_space<hbm>>
        %dma_wait3A_747 = arith.constant 0 : i32
        %dma_wait3A_748 = arith.constant 0 : i32
        %dma_wait3A_749 = tpu.memref_slice %arg5[%dma_wait3A_747, %dma_wait3A_748] : memref<8x16xf32, #tpu.memory_space<vmem>> -> memref<8x16xf32, #tpu.memory_space<vmem>>
        tpu.wait_dma2 semaphore(%run_scoped3A : memref<!tpu.dma_semaphore, #tpu.memory_space<semaphore_mem>>) src(%dma_wait3A_749 : memref<8x16xf32, #tpu.memory_space<vmem>>) dst(%dma_wait3A_746 : memref<8x16xf32, #tpu.memory_space<hbm>>)
        tpu.yield
      }) : () -> ()
    } else {
    }
    %eq3A_3 = arith.constant 1 : i32
    %eq3A_4 = arith.cmpi eq, %arg0, %eq3A_3 : i32
    %convert_element_type3A_5 = arith.extui %eq3A_4 : i1 to i32
    %cond3A_6 = arith.constant 0 : i32
    %cond3A_7 = arith.cmpi ne, %convert_element_type3A_5, %cond3A_6 : i32
    scf.if %cond3A_7 {
      "tpu.region"() ({
        %run_scoped3A = tpu.sem_alloc : memref<!tpu.dma_semaphore, #tpu.memory_space<semaphore_mem>>
        %dma_start3A = arith.constant 0 : i32
        %dma_start3A_602 = arith.constant 0 : i32
        %dma_start3A_603 = tpu.memref_slice %arg4[%dma_start3A, %dma_start3A_602] : memref<128x16xf32, #tpu.memory_space<vmem>> -> memref<16x16xf32, #tpu.memory_space<vmem>>
        %dma_start3A_604 = arith.constant 24 : i32
        %dma_start3A_605 = tpu.memref_slice %arg2[%dma_start3A_604, %mul3A_0] : memref<512x256xf32, #tpu.memory_space<hbm>> -> memref<16x16xf32, #tpu.memory_space<hbm>>
        %dma_start3A_606 = arith.constant 0 : i32
        %dma_start3A_607 = arith.constant 0 : i32
        %dma_start3A_608 = tpu.memref_slice %arg4[%dma_start3A_606, %dma_start3A_607] : memref<128x16xf32, #tpu.memory_space<vmem>> -> memref<16x16xf32, #tpu.memory_space<vmem>>
        %dma_start3A_609 = arith.constant 24 : i32
        %dma_start3A_610 = tpu.memref_slice %arg2[%dma_start3A_609, %mul3A_0] : memref<512x256xf32, #tpu.memory_space<hbm>> -> memref<16x16xf32, #tpu.memory_space<hbm>>
        tpu.enqueue_dma source(%dma_start3A_610 : memref<16x16xf32, #tpu.memory_space<hbm>>) target(%dma_start3A_608 : memref<16x16xf32, #tpu.memory_space<vmem>>) target_semaphore(%run_scoped3A : memref<!tpu.dma_semaphore, #tpu.memory_space<semaphore_mem>>)
        %dma_wait3A = arith.constant 0 : i32
        %dma_wait3A_611 = arith.constant 0 : i32
        %dma_wait3A_612 = tpu.memref_slice %arg4[%dma_wait3A, %dma_wait3A_611] : memref<128x16xf32, #tpu.memory_space<vmem>> -> memref<16x16xf32, #tpu.memory_space<vmem>>
        %dma_wait3A_613 = arith.constant 24 : i32
        %dma_wait3A_614 = tpu.memref_slice %arg2[%dma_wait3A_613, %mul3A_0] : memref<512x256xf32, #tpu.memory_space<hbm>> -> memref<16x16xf32, #tpu.memory_space<hbm>>
        %dma_wait3A_615 = arith.constant 0 : i32
        %dma_wait3A_616 = arith.constant 0 : i32
        %dma_wait3A_617 = tpu.memref_slice %arg4[%dma_wait3A_615, %dma_wait3A_616] : memref<128x16xf32, #tpu.memory_space<vmem>> -> memref<16x16xf32, #tpu.memory_space<vmem>>
        %dma_wait3A_618 = arith.constant 24 : i32
        %dma_wait3A_619 = tpu.memref_slice %arg2[%dma_wait3A_618, %mul3A_0] : memref<512x256xf32, #tpu.memory_space<hbm>> -> memref<16x16xf32, #tpu.memory_space<hbm>>
        tpu.wait_dma2 semaphore(%run_scoped3A : memref<!tpu.dma_semaphore, #tpu.memory_space<semaphore_mem>>) src(%dma_wait3A_619 : memref<16x16xf32, #tpu.memory_space<hbm>>) dst(%dma_wait3A_617 : memref<16x16xf32, #tpu.memory_space<vmem>>)
        tpu.yield
      }) : () -> ()
      "tpu.region"() ({
        %run_scoped3A = tpu.sem_alloc : memref<!tpu.dma_semaphore, #tpu.memory_space<semaphore_mem>>
        %dma_start3A = arith.constant 16 : i32
        %dma_start3A_602 = arith.constant 0 : i32
        %dma_start3A_603 = tpu.memref_slice %arg4[%dma_start3A, %dma_start3A_602] : memref<128x16xf32, #tpu.memory_space<vmem>> -> memref<24x16xf32, #tpu.memory_space<vmem>>
        %dma_start3A_604 = arith.constant 80 : i32
        %dma_start3A_605 = tpu.memref_slice %arg2[%dma_start3A_604, %mul3A_0] : memref<512x256xf32, #tpu.memory_space<hbm>> -> memref<24x16xf32, #tpu.memory_space<hbm>>
        %dma_start3A_606 = arith.constant 16 : i32
        %dma_start3A_607 = arith.constant 0 : i32
        %dma_start3A_608 = tpu.memref_slice %arg4[%dma_start3A_606, %dma_start3A_607] : memref<128x16xf32, #tpu.memory_space<vmem>> -> memref<24x16xf32, #tpu.memory_space<vmem>>
        %dma_start3A_609 = arith.constant 80 : i32
        %dma_start3A_610 = tpu.memref_slice %arg2[%dma_start3A_609, %mul3A_0] : memref<512x256xf32, #tpu.memory_space<hbm>> -> memref<24x16xf32, #tpu.memory_space<hbm>>
        tpu.enqueue_dma source(%dma_start3A_610 : memref<24x16xf32, #tpu.memory_space<hbm>>) target(%dma_start3A_608 : memref<24x16xf32, #tpu.memory_space<vmem>>) target_semaphore(%run_scoped3A : memref<!tpu.dma_semaphore, #tpu.memory_space<semaphore_mem>>)
        %dma_wait3A = arith.constant 16 : i32
        %dma_wait3A_611 = arith.constant 0 : i32
        %dma_wait3A_612 = tpu.memref_slice %arg4[%dma_wait3A, %dma_wait3A_611] : memref<128x16xf32, #tpu.memory_space<vmem>> -> memref<24x16xf32, #tpu.memory_space<vmem>>
        %dma_wait3A_613 = arith.constant 80 : i32
        %dma_wait3A_614 = tpu.memref_slice %arg2[%dma_wait3A_613, %mul3A_0] : memref<512x256xf32, #tpu.memory_space<hbm>> -> memref<24x16xf32, #tpu.memory_space<hbm>>
        %dma_wait3A_615 = arith.constant 16 : i32
        %dma_wait3A_616 = arith.constant 0 : i32
        %dma_wait3A_617 = tpu.memref_slice %arg4[%dma_wait3A_615, %dma_wait3A_616] : memref<128x16xf32, #tpu.memory_space<vmem>> -> memref<24x16xf32, #tpu.memory_space<vmem>>
        %dma_wait3A_618 = arith.constant 80 : i32
        %dma_wait3A_619 = tpu.memref_slice %arg2[%dma_wait3A_618, %mul3A_0] : memref<512x256xf32, #tpu.memory_space<hbm>> -> memref<24x16xf32, #tpu.memory_space<hbm>>
        tpu.wait_dma2 semaphore(%run_scoped3A : memref<!tpu.dma_semaphore, #tpu.memory_space<semaphore_mem>>) src(%dma_wait3A_619 : memref<24x16xf32, #tpu.memory_space<hbm>>) dst(%dma_wait3A_617 : memref<24x16xf32, #tpu.memory_space<vmem>>)
        tpu.yield
      }) : () -> ()
      "tpu.region"() ({
        %run_scoped3A = tpu.sem_alloc : memref<!tpu.dma_semaphore, #tpu.memory_space<semaphore_mem>>
        %dma_start3A = arith.constant 40 : i32
        %dma_start3A_602 = arith.constant 0 : i32
        %dma_start3A_603 = tpu.memref_slice %arg4[%dma_start3A, %dma_start3A_602] : memref<128x16xf32, #tpu.memory_space<vmem>> -> memref<16x16xf32, #tpu.memory_space<vmem>>
        %dma_start3A_604 = arith.constant 112 : i32
        %dma_start3A_605 = tpu.memref_slice %arg2[%dma_start3A_604, %mul3A_0] : memref<512x256xf32, #tpu.memory_space<hbm>> -> memref<16x16xf32, #tpu.memory_space<hbm>>
        %dma_start3A_606 = arith.constant 40 : i32
        %dma_start3A_607 = arith.constant 0 : i32
        %dma_start3A_608 = tpu.memref_slice %arg4[%dma_start3A_606, %dma_start3A_607] : memref<128x16xf32, #tpu.memory_space<vmem>> -> memref<16x16xf32, #tpu.memory_space<vmem>>
        %dma_start3A_609 = arith.constant 112 : i32
        %dma_start3A_610 = tpu.memref_slice %arg2[%dma_start3A_609, %mul3A_0] : memref<512x256xf32, #tpu.memory_space<hbm>> -> memref<16x16xf32, #tpu.memory_space<hbm>>
        tpu.enqueue_dma source(%dma_start3A_610 : memref<16x16xf32, #tpu.memory_space<hbm>>) target(%dma_start3A_608 : memref<16x16xf32, #tpu.memory_space<vmem>>) target_semaphore(%run_scoped3A : memref<!tpu.dma_semaphore, #tpu.memory_space<semaphore_mem>>)
        %dma_wait3A = arith.constant 40 : i32
        %dma_wait3A_611 = arith.constant 0 : i32
        %dma_wait3A_612 = tpu.memref_slice %arg4[%dma_wait3A, %dma_wait3A_611] : memref<128x16xf32, #tpu.memory_space<vmem>> -> memref<16x16xf32, #tpu.memory_space<vmem>>
        %dma_wait3A_613 = arith.constant 112 : i32
        %dma_wait3A_614 = tpu.memref_slice %arg2[%dma_wait3A_613, %mul3A_0] : memref<512x256xf32, #tpu.memory_space<hbm>> -> memref<16x16xf32, #tpu.memory_space<hbm>>
        %dma_wait3A_615 = arith.constant 40 : i32
        %dma_wait3A_616 = arith.constant 0 : i32
        %dma_wait3A_617 = tpu.memref_slice %arg4[%dma_wait3A_615, %dma_wait3A_616] : memref<128x16xf32, #tpu.memory_space<vmem>> -> memref<16x16xf32, #tpu.memory_space<vmem>>
        %dma_wait3A_618 = arith.constant 112 : i32
        %dma_wait3A_619 = tpu.memref_slice %arg2[%dma_wait3A_618, %mul3A_0] : memref<512x256xf32, #tpu.memory_space<hbm>> -> memref<16x16xf32, #tpu.memory_space<hbm>>
        tpu.wait_dma2 semaphore(%run_scoped3A : memref<!tpu.dma_semaphore, #tpu.memory_space<semaphore_mem>>) src(%dma_wait3A_619 : memref<16x16xf32, #tpu.memory_space<hbm>>) dst(%dma_wait3A_617 : memref<16x16xf32, #tpu.memory_space<vmem>>)
        tpu.yield
      }) : () -> ()
      "tpu.region"() ({
        %run_scoped3A = tpu.sem_alloc : memref<!tpu.dma_semaphore, #tpu.memory_space<semaphore_mem>>
        %dma_start3A = arith.constant 56 : i32
        %dma_start3A_602 = arith.constant 0 : i32
        %dma_start3A_603 = tpu.memref_slice %arg4[%dma_start3A, %dma_start3A_602] : memref<128x16xf32, #tpu.memory_space<vmem>> -> memref<8x16xf32, #tpu.memory_space<vmem>>
        %dma_start3A_604 = arith.constant 280 : i32
        %dma_start3A_605 = tpu.memref_slice %arg2[%dma_start3A_604, %mul3A_0] : memref<512x256xf32, #tpu.memory_space<hbm>> -> memref<8x16xf32, #tpu.memory_space<hbm>>
        %dma_start3A_606 = arith.constant 56 : i32
        %dma_start3A_607 = arith.constant 0 : i32
        %dma_start3A_608 = tpu.memref_slice %arg4[%dma_start3A_606, %dma_start3A_607] : memref<128x16xf32, #tpu.memory_space<vmem>> -> memref<8x16xf32, #tpu.memory_space<vmem>>
        %dma_start3A_609 = arith.constant 280 : i32
        %dma_start3A_610 = tpu.memref_slice %arg2[%dma_start3A_609, %mul3A_0] : memref<512x256xf32, #tpu.memory_space<hbm>> -> memref<8x16xf32, #tpu.memory_space<hbm>>
        tpu.enqueue_dma source(%dma_start3A_610 : memref<8x16xf32, #tpu.memory_space<hbm>>) target(%dma_start3A_608 : memref<8x16xf32, #tpu.memory_space<vmem>>) target_semaphore(%run_scoped3A : memref<!tpu.dma_semaphore, #tpu.memory_space<semaphore_mem>>)
        %dma_wait3A = arith.constant 56 : i32
        %dma_wait3A_611 = arith.constant 0 : i32
        %dma_wait3A_612 = tpu.memref_slice %arg4[%dma_wait3A, %dma_wait3A_611] : memref<128x16xf32, #tpu.memory_space<vmem>> -> memref<8x16xf32, #tpu.memory_space<vmem>>
        %dma_wait3A_613 = arith.constant 280 : i32
        %dma_wait3A_614 = tpu.memref_slice %arg2[%dma_wait3A_613, %mul3A_0] : memref<512x256xf32, #tpu.memory_space<hbm>> -> memref<8x16xf32, #tpu.memory_space<hbm>>
        %dma_wait3A_615 = arith.constant 56 : i32
        %dma_wait3A_616 = arith.constant 0 : i32
        %dma_wait3A_617 = tpu.memref_slice %arg4[%dma_wait3A_615, %dma_wait3A_616] : memref<128x16xf32, #tpu.memory_space<vmem>> -> memref<8x16xf32, #tpu.memory_space<vmem>>
        %dma_wait3A_618 = arith.constant 280 : i32
        %dma_wait3A_619 = tpu.memref_slice %arg2[%dma_wait3A_618, %mul3A_0] : memref<512x256xf32, #tpu.memory_space<hbm>> -> memref<8x16xf32, #tpu.memory_space<hbm>>
        tpu.wait_dma2 semaphore(%run_scoped3A : memref<!tpu.dma_semaphore, #tpu.memory_space<semaphore_mem>>) src(%dma_wait3A_619 : memref<8x16xf32, #tpu.memory_space<hbm>>) dst(%dma_wait3A_617 : memref<8x16xf32, #tpu.memory_space<vmem>>)
        tpu.yield
      }) : () -> ()
      "tpu.region"() ({
        %run_scoped3A = tpu.sem_alloc : memref<!tpu.dma_semaphore, #tpu.memory_space<semaphore_mem>>
        %dma_start3A = arith.constant 64 : i32
        %dma_start3A_602 = arith.constant 0 : i32
        %dma_start3A_603 = tpu.memref_slice %arg4[%dma_start3A, %dma_start3A_602] : memref<128x16xf32, #tpu.memory_space<vmem>> -> memref<24x16xf32, #tpu.memory_space<vmem>>
        %dma_start3A_604 = arith.constant 296 : i32
        %dma_start3A_605 = tpu.memref_slice %arg2[%dma_start3A_604, %mul3A_0] : memref<512x256xf32, #tpu.memory_space<hbm>> -> memref<24x16xf32, #tpu.memory_space<hbm>>
        %dma_start3A_606 = arith.constant 64 : i32
        %dma_start3A_607 = arith.constant 0 : i32
        %dma_start3A_608 = tpu.memref_slice %arg4[%dma_start3A_606, %dma_start3A_607] : memref<128x16xf32, #tpu.memory_space<vmem>> -> memref<24x16xf32, #tpu.memory_space<vmem>>
        %dma_start3A_609 = arith.constant 296 : i32
        %dma_start3A_610 = tpu.memref_slice %arg2[%dma_start3A_609, %mul3A_0] : memref<512x256xf32, #tpu.memory_space<hbm>> -> memref<24x16xf32, #tpu.memory_space<hbm>>
        tpu.enqueue_dma source(%dma_start3A_610 : memref<24x16xf32, #tpu.memory_space<hbm>>) target(%dma_start3A_608 : memref<24x16xf32, #tpu.memory_space<vmem>>) target_semaphore(%run_scoped3A : memref<!tpu.dma_semaphore, #tpu.memory_space<semaphore_mem>>)
        %dma_wait3A = arith.constant 64 : i32
        %dma_wait3A_611 = arith.constant 0 : i32
        %dma_wait3A_612 = tpu.memref_slice %arg4[%dma_wait3A, %dma_wait3A_611] : memref<128x16xf32, #tpu.memory_space<vmem>> -> memref<24x16xf32, #tpu.memory_space<vmem>>
        %dma_wait3A_613 = arith.constant 296 : i32
        %dma_wait3A_614 = tpu.memref_slice %arg2[%dma_wait3A_613, %mul3A_0] : memref<512x256xf32, #tpu.memory_space<hbm>> -> memref<24x16xf32, #tpu.memory_space<hbm>>
        %dma_wait3A_615 = arith.constant 64 : i32
        %dma_wait3A_616 = arith.constant 0 : i32
        %dma_wait3A_617 = tpu.memref_slice %arg4[%dma_wait3A_615, %dma_wait3A_616] : memref<128x16xf32, #tpu.memory_space<vmem>> -> memref<24x16xf32, #tpu.memory_space<vmem>>
        %dma_wait3A_618 = arith.constant 296 : i32
        %dma_wait3A_619 = tpu.memref_slice %arg2[%dma_wait3A_618, %mul3A_0] : memref<512x256xf32, #tpu.memory_space<hbm>> -> memref<24x16xf32, #tpu.memory_space<hbm>>
        tpu.wait_dma2 semaphore(%run_scoped3A : memref<!tpu.dma_semaphore, #tpu.memory_space<semaphore_mem>>) src(%dma_wait3A_619 : memref<24x16xf32, #tpu.memory_space<hbm>>) dst(%dma_wait3A_617 : memref<24x16xf32, #tpu.memory_space<vmem>>)
        tpu.yield
      }) : () -> ()
      "tpu.region"() ({
        %run_scoped3A = tpu.sem_alloc : memref<!tpu.dma_semaphore, #tpu.memory_space<semaphore_mem>>
        %dma_start3A = arith.constant 88 : i32
        %dma_start3A_602 = arith.constant 0 : i32
        %dma_start3A_603 = tpu.memref_slice %arg4[%dma_start3A, %dma_start3A_602] : memref<128x16xf32, #tpu.memory_space<vmem>> -> memref<40x16xf32, #tpu.memory_space<vmem>>
        %dma_start3A_604 = arith.constant 360 : i32
        %dma_start3A_605 = tpu.memref_slice %arg2[%dma_start3A_604, %mul3A_0] : memref<512x256xf32, #tpu.memory_space<hbm>> -> memref<40x16xf32, #tpu.memory_space<hbm>>
        %dma_start3A_606 = arith.constant 88 : i32
        %dma_start3A_607 = arith.constant 0 : i32
        %dma_start3A_608 = tpu.memref_slice %arg4[%dma_start3A_606, %dma_start3A_607] : memref<128x16xf32, #tpu.memory_space<vmem>> -> memref<40x16xf32, #tpu.memory_space<vmem>>
        %dma_start3A_609 = arith.constant 360 : i32
        %dma_start3A_610 = tpu.memref_slice %arg2[%dma_start3A_609, %mul3A_0] : memref<512x256xf32, #tpu.memory_space<hbm>> -> memref<40x16xf32, #tpu.memory_space<hbm>>
        tpu.enqueue_dma source(%dma_start3A_610 : memref<40x16xf32, #tpu.memory_space<hbm>>) target(%dma_start3A_608 : memref<40x16xf32, #tpu.memory_space<vmem>>) target_semaphore(%run_scoped3A : memref<!tpu.dma_semaphore, #tpu.memory_space<semaphore_mem>>)
        %dma_wait3A = arith.constant 88 : i32
        %dma_wait3A_611 = arith.constant 0 : i32
        %dma_wait3A_612 = tpu.memref_slice %arg4[%dma_wait3A, %dma_wait3A_611] : memref<128x16xf32, #tpu.memory_space<vmem>> -> memref<40x16xf32, #tpu.memory_space<vmem>>
        %dma_wait3A_613 = arith.constant 360 : i32
        %dma_wait3A_614 = tpu.memref_slice %arg2[%dma_wait3A_613, %mul3A_0] : memref<512x256xf32, #tpu.memory_space<hbm>> -> memref<40x16xf32, #tpu.memory_space<hbm>>
        %dma_wait3A_615 = arith.constant 88 : i32
        %dma_wait3A_616 = arith.constant 0 : i32
        %dma_wait3A_617 = tpu.memref_slice %arg4[%dma_wait3A_615, %dma_wait3A_616] : memref<128x16xf32, #tpu.memory_space<vmem>> -> memref<40x16xf32, #tpu.memory_space<vmem>>
        %dma_wait3A_618 = arith.constant 360 : i32
        %dma_wait3A_619 = tpu.memref_slice %arg2[%dma_wait3A_618, %mul3A_0] : memref<512x256xf32, #tpu.memory_space<hbm>> -> memref<40x16xf32, #tpu.memory_space<hbm>>
        tpu.wait_dma2 semaphore(%run_scoped3A : memref<!tpu.dma_semaphore, #tpu.memory_space<semaphore_mem>>) src(%dma_wait3A_619 : memref<40x16xf32, #tpu.memory_space<hbm>>) dst(%dma_wait3A_617 : memref<40x16xf32, #tpu.memory_space<vmem>>)
        tpu.yield
      }) : () -> ()
      %broadcast_in_dim3A = arith.constant 0.000000e+00 : f32
      %broadcast_in_dim3A_8 = vector.broadcast %broadcast_in_dim3A : f32 to vector<16xf32>
      %get3A = arith.constant 57 : i32
      %get3A_9 = arith.index_cast %get3A : i32 to index
      %get3A_10 = arith.constant 0 : index
      %get3A_11 = tpu.vector_load %arg4[%get3A_9, %get3A_10] {strides = array<i32>} : memref<128x16xf32, #tpu.memory_space<vmem>>, vector<1x16xf32>,
      %get3A_12 = vector.shape_cast %get3A_11 : vector<1x16xf32> to vector<16xf32>
      %add3A = arith.addf %broadcast_in_dim3A_8, %get3A_12 : vector<16xf32>
      %get3A_13 = arith.constant 58 : i32
      %get3A_14 = arith.index_cast %get3A_13 : i32 to index
      %get3A_15 = arith.constant 0 : index
      %get3A_16 = tpu.vector_load %arg4[%get3A_14, %get3A_15] {strides = array<i32>} : memref<128x16xf32, #tpu.memory_space<vmem>>, vector<1x16xf32>,
      %get3A_17 = vector.shape_cast %get3A_16 : vector<1x16xf32> to vector<16xf32>
      %add3A_18 = arith.addf %add3A, %get3A_17 : vector<16xf32>
      %get3A_19 = arith.constant 59 : i32
      %get3A_20 = arith.index_cast %get3A_19 : i32 to index
      %get3A_21 = arith.constant 0 : index
      %get3A_22 = tpu.vector_load %arg4[%get3A_20, %get3A_21] {strides = array<i32>} : memref<128x16xf32, #tpu.memory_space<vmem>>, vector<1x16xf32>,
      %get3A_23 = vector.shape_cast %get3A_22 : vector<1x16xf32> to vector<16xf32>
      %add3A_24 = arith.addf %add3A_18, %get3A_23 : vector<16xf32>
      %get3A_25 = arith.constant 60 : i32
      %get3A_26 = arith.index_cast %get3A_25 : i32 to index
      %get3A_27 = arith.constant 0 : index
      %get3A_28 = tpu.vector_load %arg4[%get3A_26, %get3A_27] {strides = array<i32>} : memref<128x16xf32, #tpu.memory_space<vmem>>, vector<1x16xf32>,
      %get3A_29 = vector.shape_cast %get3A_28 : vector<1x16xf32> to vector<16xf32>
      %add3A_30 = arith.addf %add3A_24, %get3A_29 : vector<16xf32>
      %get3A_31 = arith.constant 61 : i32
      %get3A_32 = arith.index_cast %get3A_31 : i32 to index
      %get3A_33 = arith.constant 0 : index
      %get3A_34 = tpu.vector_load %arg4[%get3A_32, %get3A_33] {strides = array<i32>} : memref<128x16xf32, #tpu.memory_space<vmem>>, vector<1x16xf32>,
      %get3A_35 = vector.shape_cast %get3A_34 : vector<1x16xf32> to vector<16xf32>
      %add3A_36 = arith.addf %add3A_30, %get3A_35 : vector<16xf32>
      %mul3A_37 = arith.constant 2.000000e-01 : f32
      %mul3A_38 = vector.broadcast %mul3A_37 : f32 to vector<16xf32>
      %mul3A_39 = arith.mulf %add3A_36, %mul3A_38 : vector<16xf32>
      %swap3A = arith.constant 0 : i32
      %swap3A_40 = arith.index_cast %swap3A : i32 to index
      %swap3A_41 = arith.constant 0 : index
      %swap3A_42 = tpu.vector_load %arg5[%swap3A_40, %swap3A_41] {strides = array<i32>} : memref<8x16xf32, #tpu.memory_space<vmem>>, vector<1x16xf32>,
      %swap3A_43 = vector.shape_cast %swap3A_42 : vector<1x16xf32> to vector<16xf32>
      %swap3A_44 = vector.shape_cast %mul3A_39 : vector<16xf32> to vector<1x16xf32>
      tpu.vector_store %arg5[%swap3A_40, %swap3A_41], %swap3A_44 {strides = array<i32>} : memref<8x16xf32, #tpu.memory_space<vmem>>, vector<1x16xf32>,
      %broadcast_in_dim3A_45 = arith.constant 0.000000e+00 : f32
      %broadcast_in_dim3A_46 = vector.broadcast %broadcast_in_dim3A_45 : f32 to vector<16xf32>
      %get3A_47 = arith.constant 6 : i32
      %get3A_48 = arith.index_cast %get3A_47 : i32 to index
      %get3A_49 = arith.constant 0 : index
      %get3A_50 = tpu.vector_load %arg4[%get3A_48, %get3A_49] {strides = array<i32>} : memref<128x16xf32, #tpu.memory_space<vmem>>, vector<1x16xf32>,
      %get3A_51 = vector.shape_cast %get3A_50 : vector<1x16xf32> to vector<16xf32>
      %add3A_52 = arith.addf %broadcast_in_dim3A_46, %get3A_51 : vector<16xf32>
      %get3A_53 = arith.constant 7 : i32
      %get3A_54 = arith.index_cast %get3A_53 : i32 to index
      %get3A_55 = arith.constant 0 : index
      %get3A_56 = tpu.vector_load %arg4[%get3A_54, %get3A_55] {strides = array<i32>} : memref<128x16xf32, #tpu.memory_space<vmem>>, vector<1x16xf32>,
      %get3A_57 = vector.shape_cast %get3A_56 : vector<1x16xf32> to vector<16xf32>
      %add3A_58 = arith.addf %add3A_52, %get3A_57 : vector<16xf32>
      %get3A_59 = arith.constant 8 : i32
      %get3A_60 = arith.index_cast %get3A_59 : i32 to index
      %get3A_61 = arith.constant 0 : index
      %get3A_62 = tpu.vector_load %arg4[%get3A_60, %get3A_61] {strides = array<i32>} : memref<128x16xf32, #tpu.memory_space<vmem>>, vector<1x16xf32>,
      %get3A_63 = vector.shape_cast %get3A_62 : vector<1x16xf32> to vector<16xf32>
      %add3A_64 = arith.addf %add3A_58, %get3A_63 : vector<16xf32>
      %mul3A_65 = arith.constant 0.333333343 : f32
      %mul3A_66 = vector.broadcast %mul3A_65 : f32 to vector<16xf32>
      %mul3A_67 = arith.mulf %add3A_64, %mul3A_66 : vector<16xf32>
      %swap3A_68 = arith.constant 1 : i32
      %swap3A_69 = arith.index_cast %swap3A_68 : i32 to index
      %swap3A_70 = arith.constant 0 : index
      %swap3A_71 = tpu.vector_load %arg5[%swap3A_69, %swap3A_70] {strides = array<i32>} : memref<8x16xf32, #tpu.memory_space<vmem>>, vector<1x16xf32>,
      %swap3A_72 = vector.shape_cast %swap3A_71 : vector<1x16xf32> to vector<16xf32>
      %swap3A_73 = vector.shape_cast %mul3A_67 : vector<16xf32> to vector<1x16xf32>
      tpu.vector_store %arg5[%swap3A_69, %swap3A_70], %swap3A_73 {strides = array<i32>} : memref<8x16xf32, #tpu.memory_space<vmem>>, vector<1x16xf32>,
      %broadcast_in_dim3A_74 = arith.constant 0.000000e+00 : f32
      %broadcast_in_dim3A_75 = vector.broadcast %broadcast_in_dim3A_74 : f32 to vector<16xf32>
      %get3A_76 = arith.constant 9 : i32
      %get3A_77 = arith.index_cast %get3A_76 : i32 to index
      %get3A_78 = arith.constant 0 : index
      %get3A_79 = tpu.vector_load %arg4[%get3A_77, %get3A_78] {strides = array<i32>} : memref<128x16xf32, #tpu.memory_space<vmem>>, vector<1x16xf32>,
      %get3A_80 = vector.shape_cast %get3A_79 : vector<1x16xf32> to vector<16xf32>
      %add3A_81 = arith.addf %broadcast_in_dim3A_75, %get3A_80 : vector<16xf32>
      %get3A_82 = arith.constant 10 : i32
      %get3A_83 = arith.index_cast %get3A_82 : i32 to index
      %get3A_84 = arith.constant 0 : index
      %get3A_85 = tpu.vector_load %arg4[%get3A_83, %get3A_84] {strides = array<i32>} : memref<128x16xf32, #tpu.memory_space<vmem>>, vector<1x16xf32>,
      %get3A_86 = vector.shape_cast %get3A_85 : vector<1x16xf32> to vector<16xf32>
      %add3A_87 = arith.addf %add3A_81, %get3A_86 : vector<16xf32>
      %get3A_88 = arith.constant 11 : i32
      %get3A_89 = arith.index_cast %get3A_88 : i32 to index
      %get3A_90 = arith.constant 0 : index
      %get3A_91 = tpu.vector_load %arg4[%get3A_89, %get3A_90] {strides = array<i32>} : memref<128x16xf32, #tpu.memory_space<vmem>>, vector<1x16xf32>,
      %get3A_92 = vector.shape_cast %get3A_91 : vector<1x16xf32> to vector<16xf32>
      %add3A_93 = arith.addf %add3A_87, %get3A_92 : vector<16xf32>
      %get3A_94 = arith.constant 12 : i32
      %get3A_95 = arith.index_cast %get3A_94 : i32 to index
      %get3A_96 = arith.constant 0 : index
      %get3A_97 = tpu.vector_load %arg4[%get3A_95, %get3A_96] {strides = array<i32>} : memref<128x16xf32, #tpu.memory_space<vmem>>, vector<1x16xf32>,
      %get3A_98 = vector.shape_cast %get3A_97 : vector<1x16xf32> to vector<16xf32>
      %add3A_99 = arith.addf %add3A_93, %get3A_98 : vector<16xf32>
      %get3A_100 = arith.constant 13 : i32
      %get3A_101 = arith.index_cast %get3A_100 : i32 to index
      %get3A_102 = arith.constant 0 : index
      %get3A_103 = tpu.vector_load %arg4[%get3A_101, %get3A_102] {strides = array<i32>} : memref<128x16xf32, #tpu.memory_space<vmem>>, vector<1x16xf32>,
      %get3A_104 = vector.shape_cast %get3A_103 : vector<1x16xf32> to vector<16xf32>
      %add3A_105 = arith.addf %add3A_99, %get3A_104 : vector<16xf32>
      %mul3A_106 = arith.constant 2.000000e-01 : f32
      %mul3A_107 = vector.broadcast %mul3A_106 : f32 to vector<16xf32>
      %mul3A_108 = arith.mulf %add3A_105, %mul3A_107 : vector<16xf32>
      %swap3A_109 = arith.constant 2 : i32
      %swap3A_110 = arith.index_cast %swap3A_109 : i32 to index
      %swap3A_111 = arith.constant 0 : index
      %swap3A_112 = tpu.vector_load %arg5[%swap3A_110, %swap3A_111] {strides = array<i32>} : memref<8x16xf32, #tpu.memory_space<vmem>>, vector<1x16xf32>,
      %swap3A_113 = vector.shape_cast %swap3A_112 : vector<1x16xf32> to vector<16xf32>
      %swap3A_114 = vector.shape_cast %mul3A_108 : vector<16xf32> to vector<1x16xf32>
      tpu.vector_store %arg5[%swap3A_110, %swap3A_111], %swap3A_114 {strides = array<i32>} : memref<8x16xf32, #tpu.memory_space<vmem>>, vector<1x16xf32>,
      %broadcast_in_dim3A_115 = arith.constant 0.000000e+00 : f32
      %broadcast_in_dim3A_116 = vector.broadcast %broadcast_in_dim3A_115 : f32 to vector<16xf32>
      %get3A_117 = arith.constant 16 : i32
      %get3A_118 = arith.index_cast %get3A_117 : i32 to index
      %get3A_119 = arith.constant 0 : index
      %get3A_120 = tpu.vector_load %arg4[%get3A_118, %get3A_119] {strides = array<i32>} : memref<128x16xf32, #tpu.memory_space<vmem>>, vector<1x16xf32>,
      %get3A_121 = vector.shape_cast %get3A_120 : vector<1x16xf32> to vector<16xf32>
      %add3A_122 = arith.addf %broadcast_in_dim3A_116, %get3A_121 : vector<16xf32>
      %get3A_123 = arith.constant 17 : i32
      %get3A_124 = arith.index_cast %get3A_123 : i32 to index
      %get3A_125 = arith.constant 0 : index
      %get3A_126 = tpu.vector_load %arg4[%get3A_124, %get3A_125] {strides = array<i32>} : memref<128x16xf32, #tpu.memory_space<vmem>>, vector<1x16xf32>,
      %get3A_127 = vector.shape_cast %get3A_126 : vector<1x16xf32> to vector<16xf32>
      %add3A_128 = arith.addf %add3A_122, %get3A_127 : vector<16xf32>
      %get3A_129 = arith.constant 18 : i32
      %get3A_130 = arith.index_cast %get3A_129 : i32 to index
      %get3A_131 = arith.constant 0 : index
      %get3A_132 = tpu.vector_load %arg4[%get3A_130, %get3A_131] {strides = array<i32>} : memref<128x16xf32, #tpu.memory_space<vmem>>, vector<1x16xf32>,
      %get3A_133 = vector.shape_cast %get3A_132 : vector<1x16xf32> to vector<16xf32>
      %add3A_134 = arith.addf %add3A_128, %get3A_133 : vector<16xf32>
      %get3A_135 = arith.constant 19 : i32
      %get3A_136 = arith.index_cast %get3A_135 : i32 to index
      %get3A_137 = arith.constant 0 : index
      %get3A_138 = tpu.vector_load %arg4[%get3A_136, %get3A_137] {strides = array<i32>} : memref<128x16xf32, #tpu.memory_space<vmem>>, vector<1x16xf32>,
      %get3A_139 = vector.shape_cast %get3A_138 : vector<1x16xf32> to vector<16xf32>
      %add3A_140 = arith.addf %add3A_134, %get3A_139 : vector<16xf32>
      %get3A_141 = arith.constant 20 : i32
      %get3A_142 = arith.index_cast %get3A_141 : i32 to index
      %get3A_143 = arith.constant 0 : index
      %get3A_144 = tpu.vector_load %arg4[%get3A_142, %get3A_143] {strides = array<i32>} : memref<128x16xf32, #tpu.memory_space<vmem>>, vector<1x16xf32>,
      %get3A_145 = vector.shape_cast %get3A_144 : vector<1x16xf32> to vector<16xf32>
      %add3A_146 = arith.addf %add3A_140, %get3A_145 : vector<16xf32>
      %get3A_147 = arith.constant 21 : i32
      %get3A_148 = arith.index_cast %get3A_147 : i32 to index
      %get3A_149 = arith.constant 0 : index
      %get3A_150 = tpu.vector_load %arg4[%get3A_148, %get3A_149] {strides = array<i32>} : memref<128x16xf32, #tpu.memory_space<vmem>>, vector<1x16xf32>,
      %get3A_151 = vector.shape_cast %get3A_150 : vector<1x16xf32> to vector<16xf32>
      %add3A_152 = arith.addf %add3A_146, %get3A_151 : vector<16xf32>
      %get3A_153 = arith.constant 22 : i32
      %get3A_154 = arith.index_cast %get3A_153 : i32 to index
      %get3A_155 = arith.constant 0 : index
      %get3A_156 = tpu.vector_load %arg4[%get3A_154, %get3A_155] {strides = array<i32>} : memref<128x16xf32, #tpu.memory_space<vmem>>, vector<1x16xf32>,
      %get3A_157 = vector.shape_cast %get3A_156 : vector<1x16xf32> to vector<16xf32>
      %add3A_158 = arith.addf %add3A_152, %get3A_157 : vector<16xf32>
      %get3A_159 = arith.constant 23 : i32
      %get3A_160 = arith.index_cast %get3A_159 : i32 to index
      %get3A_161 = arith.constant 0 : index
      %get3A_162 = tpu.vector_load %arg4[%get3A_160, %get3A_161] {strides = array<i32>} : memref<128x16xf32, #tpu.memory_space<vmem>>, vector<1x16xf32>,
      %get3A_163 = vector.shape_cast %get3A_162 : vector<1x16xf32> to vector<16xf32>
      %add3A_164 = arith.addf %add3A_158, %get3A_163 : vector<16xf32>
      %get3A_165 = arith.constant 24 : i32
      %get3A_166 = arith.index_cast %get3A_165 : i32 to index
      %get3A_167 = arith.constant 0 : index
      %get3A_168 = tpu.vector_load %arg4[%get3A_166, %get3A_167] {strides = array<i32>} : memref<128x16xf32, #tpu.memory_space<vmem>>, vector<1x16xf32>,
      %get3A_169 = vector.shape_cast %get3A_168 : vector<1x16xf32> to vector<16xf32>
      %add3A_170 = arith.addf %add3A_164, %get3A_169 : vector<16xf32>
      %get3A_171 = arith.constant 25 : i32
      %get3A_172 = arith.index_cast %get3A_171 : i32 to index
      %get3A_173 = arith.constant 0 : index
      %get3A_174 = tpu.vector_load %arg4[%get3A_172, %get3A_173] {strides = array<i32>} : memref<128x16xf32, #tpu.memory_space<vmem>>, vector<1x16xf32>,
      %get3A_175 = vector.shape_cast %get3A_174 : vector<1x16xf32> to vector<16xf32>
      %add3A_176 = arith.addf %add3A_170, %get3A_175 : vector<16xf32>
      %get3A_177 = arith.constant 26 : i32
      %get3A_178 = arith.index_cast %get3A_177 : i32 to index
      %get3A_179 = arith.constant 0 : index
      %get3A_180 = tpu.vector_load %arg4[%get3A_178, %get3A_179] {strides = array<i32>} : memref<128x16xf32, #tpu.memory_space<vmem>>, vector<1x16xf32>,
      %get3A_181 = vector.shape_cast %get3A_180 : vector<1x16xf32> to vector<16xf32>
      %add3A_182 = arith.addf %add3A_176, %get3A_181 : vector<16xf32>
      %get3A_183 = arith.constant 27 : i32
      %get3A_184 = arith.index_cast %get3A_183 : i32 to index
      %get3A_185 = arith.constant 0 : index
      %get3A_186 = tpu.vector_load %arg4[%get3A_184, %get3A_185] {strides = array<i32>} : memref<128x16xf32, #tpu.memory_space<vmem>>, vector<1x16xf32>,
      %get3A_187 = vector.shape_cast %get3A_186 : vector<1x16xf32> to vector<16xf32>
      %add3A_188 = arith.addf %add3A_182, %get3A_187 : vector<16xf32>
      %get3A_189 = arith.constant 28 : i32
      %get3A_190 = arith.index_cast %get3A_189 : i32 to index
      %get3A_191 = arith.constant 0 : index
      %get3A_192 = tpu.vector_load %arg4[%get3A_190, %get3A_191] {strides = array<i32>} : memref<128x16xf32, #tpu.memory_space<vmem>>, vector<1x16xf32>,
      %get3A_193 = vector.shape_cast %get3A_192 : vector<1x16xf32> to vector<16xf32>
      %add3A_194 = arith.addf %add3A_188, %get3A_193 : vector<16xf32>
      %get3A_195 = arith.constant 29 : i32
      %get3A_196 = arith.index_cast %get3A_195 : i32 to index
      %get3A_197 = arith.constant 0 : index
      %get3A_198 = tpu.vector_load %arg4[%get3A_196, %get3A_197] {strides = array<i32>} : memref<128x16xf32, #tpu.memory_space<vmem>>, vector<1x16xf32>,
      %get3A_199 = vector.shape_cast %get3A_198 : vector<1x16xf32> to vector<16xf32>
      %add3A_200 = arith.addf %add3A_194, %get3A_199 : vector<16xf32>
      %get3A_201 = arith.constant 30 : i32
      %get3A_202 = arith.index_cast %get3A_201 : i32 to index
      %get3A_203 = arith.constant 0 : index
      %get3A_204 = tpu.vector_load %arg4[%get3A_202, %get3A_203] {strides = array<i32>} : memref<128x16xf32, #tpu.memory_space<vmem>>, vector<1x16xf32>,
      %get3A_205 = vector.shape_cast %get3A_204 : vector<1x16xf32> to vector<16xf32>
      %add3A_206 = arith.addf %add3A_200, %get3A_205 : vector<16xf32>
      %get3A_207 = arith.constant 31 : i32
      %get3A_208 = arith.index_cast %get3A_207 : i32 to index
      %get3A_209 = arith.constant 0 : index
      %get3A_210 = tpu.vector_load %arg4[%get3A_208, %get3A_209] {strides = array<i32>} : memref<128x16xf32, #tpu.memory_space<vmem>>, vector<1x16xf32>,
      %get3A_211 = vector.shape_cast %get3A_210 : vector<1x16xf32> to vector<16xf32>
      %add3A_212 = arith.addf %add3A_206, %get3A_211 : vector<16xf32>
      %get3A_213 = arith.constant 32 : i32
      %get3A_214 = arith.index_cast %get3A_213 : i32 to index
      %get3A_215 = arith.constant 0 : index
      %get3A_216 = tpu.vector_load %arg4[%get3A_214, %get3A_215] {strides = array<i32>} : memref<128x16xf32, #tpu.memory_space<vmem>>, vector<1x16xf32>,
      %get3A_217 = vector.shape_cast %get3A_216 : vector<1x16xf32> to vector<16xf32>
      %add3A_218 = arith.addf %add3A_212, %get3A_217 : vector<16xf32>
      %get3A_219 = arith.constant 33 : i32
      %get3A_220 = arith.index_cast %get3A_219 : i32 to index
      %get3A_221 = arith.constant 0 : index
      %get3A_222 = tpu.vector_load %arg4[%get3A_220, %get3A_221] {strides = array<i32>} : memref<128x16xf32, #tpu.memory_space<vmem>>, vector<1x16xf32>,
      %get3A_223 = vector.shape_cast %get3A_222 : vector<1x16xf32> to vector<16xf32>
      %add3A_224 = arith.addf %add3A_218, %get3A_223 : vector<16xf32>
      %get3A_225 = arith.constant 34 : i32
      %get3A_226 = arith.index_cast %get3A_225 : i32 to index
      %get3A_227 = arith.constant 0 : index
      %get3A_228 = tpu.vector_load %arg4[%get3A_226, %get3A_227] {strides = array<i32>} : memref<128x16xf32, #tpu.memory_space<vmem>>, vector<1x16xf32>,
      %get3A_229 = vector.shape_cast %get3A_228 : vector<1x16xf32> to vector<16xf32>
      %add3A_230 = arith.addf %add3A_224, %get3A_229 : vector<16xf32>
      %get3A_231 = arith.constant 35 : i32
      %get3A_232 = arith.index_cast %get3A_231 : i32 to index
      %get3A_233 = arith.constant 0 : index
      %get3A_234 = tpu.vector_load %arg4[%get3A_232, %get3A_233] {strides = array<i32>} : memref<128x16xf32, #tpu.memory_space<vmem>>, vector<1x16xf32>,
      %get3A_235 = vector.shape_cast %get3A_234 : vector<1x16xf32> to vector<16xf32>
      %add3A_236 = arith.addf %add3A_230, %get3A_235 : vector<16xf32>
      %get3A_237 = arith.constant 36 : i32
      %get3A_238 = arith.index_cast %get3A_237 : i32 to index
      %get3A_239 = arith.constant 0 : index
      %get3A_240 = tpu.vector_load %arg4[%get3A_238, %get3A_239] {strides = array<i32>} : memref<128x16xf32, #tpu.memory_space<vmem>>, vector<1x16xf32>,
      %get3A_241 = vector.shape_cast %get3A_240 : vector<1x16xf32> to vector<16xf32>
      %add3A_242 = arith.addf %add3A_236, %get3A_241 : vector<16xf32>
      %mul3A_243 = arith.constant 0.0476190485 : f32
      %mul3A_244 = vector.broadcast %mul3A_243 : f32 to vector<16xf32>
      %mul3A_245 = arith.mulf %add3A_242, %mul3A_244 : vector<16xf32>
      %swap3A_246 = arith.constant 3 : i32
      %swap3A_247 = arith.index_cast %swap3A_246 : i32 to index
      %swap3A_248 = arith.constant 0 : index
      %swap3A_249 = tpu.vector_load %arg5[%swap3A_247, %swap3A_248] {strides = array<i32>} : memref<8x16xf32, #tpu.memory_space<vmem>>, vector<1x16xf32>,
      %swap3A_250 = vector.shape_cast %swap3A_249 : vector<1x16xf32> to vector<16xf32>
      %swap3A_251 = vector.shape_cast %mul3A_245 : vector<16xf32> to vector<1x16xf32>
      tpu.vector_store %arg5[%swap3A_247, %swap3A_248], %swap3A_251 {strides = array<i32>} : memref<8x16xf32, #tpu.memory_space<vmem>>, vector<1x16xf32>,
      %broadcast_in_dim3A_252 = arith.constant 0.000000e+00 : f32
      %broadcast_in_dim3A_253 = vector.broadcast %broadcast_in_dim3A_252 : f32 to vector<16xf32>
      %get3A_254 = arith.constant 93 : i32
      %get3A_255 = arith.index_cast %get3A_254 : i32 to index
      %get3A_256 = arith.constant 0 : index
      %get3A_257 = tpu.vector_load %arg4[%get3A_255, %get3A_256] {strides = array<i32>} : memref<128x16xf32, #tpu.memory_space<vmem>>, vector<1x16xf32>,
      %get3A_258 = vector.shape_cast %get3A_257 : vector<1x16xf32> to vector<16xf32>
      %add3A_259 = arith.addf %broadcast_in_dim3A_253, %get3A_258 : vector<16xf32>
      %get3A_260 = arith.constant 94 : i32
      %get3A_261 = arith.index_cast %get3A_260 : i32 to index
      %get3A_262 = arith.constant 0 : index
      %get3A_263 = tpu.vector_load %arg4[%get3A_261, %get3A_262] {strides = array<i32>} : memref<128x16xf32, #tpu.memory_space<vmem>>, vector<1x16xf32>,
      %get3A_264 = vector.shape_cast %get3A_263 : vector<1x16xf32> to vector<16xf32>
      %add3A_265 = arith.addf %add3A_259, %get3A_264 : vector<16xf32>
      %get3A_266 = arith.constant 95 : i32
      %get3A_267 = arith.index_cast %get3A_266 : i32 to index
      %get3A_268 = arith.constant 0 : index
      %get3A_269 = tpu.vector_load %arg4[%get3A_267, %get3A_268] {strides = array<i32>} : memref<128x16xf32, #tpu.memory_space<vmem>>, vector<1x16xf32>,
      %get3A_270 = vector.shape_cast %get3A_269 : vector<1x16xf32> to vector<16xf32>
      %add3A_271 = arith.addf %add3A_265, %get3A_270 : vector<16xf32>
      %get3A_272 = arith.constant 96 : i32
      %get3A_273 = arith.index_cast %get3A_272 : i32 to index
      %get3A_274 = arith.constant 0 : index
      %get3A_275 = tpu.vector_load %arg4[%get3A_273, %get3A_274] {strides = array<i32>} : memref<128x16xf32, #tpu.memory_space<vmem>>, vector<1x16xf32>,
      %get3A_276 = vector.shape_cast %get3A_275 : vector<1x16xf32> to vector<16xf32>
      %add3A_277 = arith.addf %add3A_271, %get3A_276 : vector<16xf32>
      %get3A_278 = arith.constant 97 : i32
      %get3A_279 = arith.index_cast %get3A_278 : i32 to index
      %get3A_280 = arith.constant 0 : index
      %get3A_281 = tpu.vector_load %arg4[%get3A_279, %get3A_280] {strides = array<i32>} : memref<128x16xf32, #tpu.memory_space<vmem>>, vector<1x16xf32>,
      %get3A_282 = vector.shape_cast %get3A_281 : vector<1x16xf32> to vector<16xf32>
      %add3A_283 = arith.addf %add3A_277, %get3A_282 : vector<16xf32>
      %get3A_284 = arith.constant 98 : i32
      %get3A_285 = arith.index_cast %get3A_284 : i32 to index
      %get3A_286 = arith.constant 0 : index
      %get3A_287 = tpu.vector_load %arg4[%get3A_285, %get3A_286] {strides = array<i32>} : memref<128x16xf32, #tpu.memory_space<vmem>>, vector<1x16xf32>,
      %get3A_288 = vector.shape_cast %get3A_287 : vector<1x16xf32> to vector<16xf32>
      %add3A_289 = arith.addf %add3A_283, %get3A_288 : vector<16xf32>
      %get3A_290 = arith.constant 99 : i32
      %get3A_291 = arith.index_cast %get3A_290 : i32 to index
      %get3A_292 = arith.constant 0 : index
      %get3A_293 = tpu.vector_load %arg4[%get3A_291, %get3A_292] {strides = array<i32>} : memref<128x16xf32, #tpu.memory_space<vmem>>, vector<1x16xf32>,
      %get3A_294 = vector.shape_cast %get3A_293 : vector<1x16xf32> to vector<16xf32>
      %add3A_295 = arith.addf %add3A_289, %get3A_294 : vector<16xf32>
      %get3A_296 = arith.constant 100 : i32
      %get3A_297 = arith.index_cast %get3A_296 : i32 to index
      %get3A_298 = arith.constant 0 : index
      %get3A_299 = tpu.vector_load %arg4[%get3A_297, %get3A_298] {strides = array<i32>} : memref<128x16xf32, #tpu.memory_space<vmem>>, vector<1x16xf32>,
      %get3A_300 = vector.shape_cast %get3A_299 : vector<1x16xf32> to vector<16xf32>
      %add3A_301 = arith.addf %add3A_295, %get3A_300 : vector<16xf32>
      %get3A_302 = arith.constant 101 : i32
      %get3A_303 = arith.index_cast %get3A_302 : i32 to index
      %get3A_304 = arith.constant 0 : index
      %get3A_305 = tpu.vector_load %arg4[%get3A_303, %get3A_304] {strides = array<i32>} : memref<128x16xf32, #tpu.memory_space<vmem>>, vector<1x16xf32>,
      %get3A_306 = vector.shape_cast %get3A_305 : vector<1x16xf32> to vector<16xf32>
      %add3A_307 = arith.addf %add3A_301, %get3A_306 : vector<16xf32>
      %get3A_308 = arith.constant 102 : i32
      %get3A_309 = arith.index_cast %get3A_308 : i32 to index
      %get3A_310 = arith.constant 0 : index
      %get3A_311 = tpu.vector_load %arg4[%get3A_309, %get3A_310] {strides = array<i32>} : memref<128x16xf32, #tpu.memory_space<vmem>>, vector<1x16xf32>,
      %get3A_312 = vector.shape_cast %get3A_311 : vector<1x16xf32> to vector<16xf32>
      %add3A_313 = arith.addf %add3A_307, %get3A_312 : vector<16xf32>
      %get3A_314 = arith.constant 103 : i32
      %get3A_315 = arith.index_cast %get3A_314 : i32 to index
      %get3A_316 = arith.constant 0 : index
      %get3A_317 = tpu.vector_load %arg4[%get3A_315, %get3A_316] {strides = array<i32>} : memref<128x16xf32, #tpu.memory_space<vmem>>, vector<1x16xf32>,
      %get3A_318 = vector.shape_cast %get3A_317 : vector<1x16xf32> to vector<16xf32>
      %add3A_319 = arith.addf %add3A_313, %get3A_318 : vector<16xf32>
      %get3A_320 = arith.constant 104 : i32
      %get3A_321 = arith.index_cast %get3A_320 : i32 to index
      %get3A_322 = arith.constant 0 : index
      %get3A_323 = tpu.vector_load %arg4[%get3A_321, %get3A_322] {strides = array<i32>} : memref<128x16xf32, #tpu.memory_space<vmem>>, vector<1x16xf32>,
      %get3A_324 = vector.shape_cast %get3A_323 : vector<1x16xf32> to vector<16xf32>
      %add3A_325 = arith.addf %add3A_319, %get3A_324 : vector<16xf32>
      %get3A_326 = arith.constant 105 : i32
      %get3A_327 = arith.index_cast %get3A_326 : i32 to index
      %get3A_328 = arith.constant 0 : index
      %get3A_329 = tpu.vector_load %arg4[%get3A_327, %get3A_328] {strides = array<i32>} : memref<128x16xf32, #tpu.memory_space<vmem>>, vector<1x16xf32>,
      %get3A_330 = vector.shape_cast %get3A_329 : vector<1x16xf32> to vector<16xf32>
      %add3A_331 = arith.addf %add3A_325, %get3A_330 : vector<16xf32>
      %get3A_332 = arith.constant 106 : i32
      %get3A_333 = arith.index_cast %get3A_332 : i32 to index
      %get3A_334 = arith.constant 0 : index
      %get3A_335 = tpu.vector_load %arg4[%get3A_333, %get3A_334] {strides = array<i32>} : memref<128x16xf32, #tpu.memory_space<vmem>>, vector<1x16xf32>,
      %get3A_336 = vector.shape_cast %get3A_335 : vector<1x16xf32> to vector<16xf32>
      %add3A_337 = arith.addf %add3A_331, %get3A_336 : vector<16xf32>
      %get3A_338 = arith.constant 107 : i32
      %get3A_339 = arith.index_cast %get3A_338 : i32 to index
      %get3A_340 = arith.constant 0 : index
      %get3A_341 = tpu.vector_load %arg4[%get3A_339, %get3A_340] {strides = array<i32>} : memref<128x16xf32, #tpu.memory_space<vmem>>, vector<1x16xf32>,
      %get3A_342 = vector.shape_cast %get3A_341 : vector<1x16xf32> to vector<16xf32>
      %add3A_343 = arith.addf %add3A_337, %get3A_342 : vector<16xf32>
      %get3A_344 = arith.constant 108 : i32
      %get3A_345 = arith.index_cast %get3A_344 : i32 to index
      %get3A_346 = arith.constant 0 : index
      %get3A_347 = tpu.vector_load %arg4[%get3A_345, %get3A_346] {strides = array<i32>} : memref<128x16xf32, #tpu.memory_space<vmem>>, vector<1x16xf32>,
      %get3A_348 = vector.shape_cast %get3A_347 : vector<1x16xf32> to vector<16xf32>
      %add3A_349 = arith.addf %add3A_343, %get3A_348 : vector<16xf32>
      %get3A_350 = arith.constant 109 : i32
      %get3A_351 = arith.index_cast %get3A_350 : i32 to index
      %get3A_352 = arith.constant 0 : index
      %get3A_353 = tpu.vector_load %arg4[%get3A_351, %get3A_352] {strides = array<i32>} : memref<128x16xf32, #tpu.memory_space<vmem>>, vector<1x16xf32>,
      %get3A_354 = vector.shape_cast %get3A_353 : vector<1x16xf32> to vector<16xf32>
      %add3A_355 = arith.addf %add3A_349, %get3A_354 : vector<16xf32>
      %get3A_356 = arith.constant 110 : i32
      %get3A_357 = arith.index_cast %get3A_356 : i32 to index
      %get3A_358 = arith.constant 0 : index
      %get3A_359 = tpu.vector_load %arg4[%get3A_357, %get3A_358] {strides = array<i32>} : memref<128x16xf32, #tpu.memory_space<vmem>>, vector<1x16xf32>,
      %get3A_360 = vector.shape_cast %get3A_359 : vector<1x16xf32> to vector<16xf32>
      %add3A_361 = arith.addf %add3A_355, %get3A_360 : vector<16xf32>
      %mul3A_362 = arith.constant 0.055555556 : f32
      %mul3A_363 = vector.broadcast %mul3A_362 : f32 to vector<16xf32>
      %mul3A_364 = arith.mulf %add3A_361, %mul3A_363 : vector<16xf32>
      %swap3A_365 = arith.constant 4 : i32
      %swap3A_366 = arith.index_cast %swap3A_365 : i32 to index
      %swap3A_367 = arith.constant 0 : index
      %swap3A_368 = tpu.vector_load %arg5[%swap3A_366, %swap3A_367] {strides = array<i32>} : memref<8x16xf32, #tpu.memory_space<vmem>>, vector<1x16xf32>,
      %swap3A_369 = vector.shape_cast %swap3A_368 : vector<1x16xf32> to vector<16xf32>
      %swap3A_370 = vector.shape_cast %mul3A_364 : vector<16xf32> to vector<1x16xf32>
      tpu.vector_store %arg5[%swap3A_366, %swap3A_367], %swap3A_370 {strides = array<i32>} : memref<8x16xf32, #tpu.memory_space<vmem>>, vector<1x16xf32>,
      %broadcast_in_dim3A_371 = arith.constant 0.000000e+00 : f32
      %broadcast_in_dim3A_372 = vector.broadcast %broadcast_in_dim3A_371 : f32 to vector<16xf32>
      %get3A_373 = arith.constant 117 : i32
      %get3A_374 = arith.index_cast %get3A_373 : i32 to index
      %get3A_375 = arith.constant 0 : index
      %get3A_376 = tpu.vector_load %arg4[%get3A_374, %get3A_375] {strides = array<i32>} : memref<128x16xf32, #tpu.memory_space<vmem>>, vector<1x16xf32>,
      %get3A_377 = vector.shape_cast %get3A_376 : vector<1x16xf32> to vector<16xf32>
      %add3A_378 = arith.addf %broadcast_in_dim3A_372, %get3A_377 : vector<16xf32>
      %get3A_379 = arith.constant 118 : i32
      %get3A_380 = arith.index_cast %get3A_379 : i32 to index
      %get3A_381 = arith.constant 0 : index
      %get3A_382 = tpu.vector_load %arg4[%get3A_380, %get3A_381] {strides = array<i32>} : memref<128x16xf32, #tpu.memory_space<vmem>>, vector<1x16xf32>,
      %get3A_383 = vector.shape_cast %get3A_382 : vector<1x16xf32> to vector<16xf32>
      %add3A_384 = arith.addf %add3A_378, %get3A_383 : vector<16xf32>
      %get3A_385 = arith.constant 119 : i32
      %get3A_386 = arith.index_cast %get3A_385 : i32 to index
      %get3A_387 = arith.constant 0 : index
      %get3A_388 = tpu.vector_load %arg4[%get3A_386, %get3A_387] {strides = array<i32>} : memref<128x16xf32, #tpu.memory_space<vmem>>, vector<1x16xf32>,
      %get3A_389 = vector.shape_cast %get3A_388 : vector<1x16xf32> to vector<16xf32>
      %add3A_390 = arith.addf %add3A_384, %get3A_389 : vector<16xf32>
      %get3A_391 = arith.constant 120 : i32
      %get3A_392 = arith.index_cast %get3A_391 : i32 to index
      %get3A_393 = arith.constant 0 : index
      %get3A_394 = tpu.vector_load %arg4[%get3A_392, %get3A_393] {strides = array<i32>} : memref<128x16xf32, #tpu.memory_space<vmem>>, vector<1x16xf32>,
      %get3A_395 = vector.shape_cast %get3A_394 : vector<1x16xf32> to vector<16xf32>
      %add3A_396 = arith.addf %add3A_390, %get3A_395 : vector<16xf32>
      %get3A_397 = arith.constant 121 : i32
      %get3A_398 = arith.index_cast %get3A_397 : i32 to index
      %get3A_399 = arith.constant 0 : index
      %get3A_400 = tpu.vector_load %arg4[%get3A_398, %get3A_399] {strides = array<i32>} : memref<128x16xf32, #tpu.memory_space<vmem>>, vector<1x16xf32>,
      %get3A_401 = vector.shape_cast %get3A_400 : vector<1x16xf32> to vector<16xf32>
      %add3A_402 = arith.addf %add3A_396, %get3A_401 : vector<16xf32>
      %get3A_403 = arith.constant 122 : i32
      %get3A_404 = arith.index_cast %get3A_403 : i32 to index
      %get3A_405 = arith.constant 0 : index
      %get3A_406 = tpu.vector_load %arg4[%get3A_404, %get3A_405] {strides = array<i32>} : memref<128x16xf32, #tpu.memory_space<vmem>>, vector<1x16xf32>,
      %get3A_407 = vector.shape_cast %get3A_406 : vector<1x16xf32> to vector<16xf32>
      %add3A_408 = arith.addf %add3A_402, %get3A_407 : vector<16xf32>
      %get3A_409 = arith.constant 123 : i32
      %get3A_410 = arith.index_cast %get3A_409 : i32 to index
      %get3A_411 = arith.constant 0 : index
      %get3A_412 = tpu.vector_load %arg4[%get3A_410, %get3A_411] {strides = array<i32>} : memref<128x16xf32, #tpu.memory_space<vmem>>, vector<1x16xf32>,
      %get3A_413 = vector.shape_cast %get3A_412 : vector<1x16xf32> to vector<16xf32>
      %add3A_414 = arith.addf %add3A_408, %get3A_413 : vector<16xf32>
      %get3A_415 = arith.constant 124 : i32
      %get3A_416 = arith.index_cast %get3A_415 : i32 to index
      %get3A_417 = arith.constant 0 : index
      %get3A_418 = tpu.vector_load %arg4[%get3A_416, %get3A_417] {strides = array<i32>} : memref<128x16xf32, #tpu.memory_space<vmem>>, vector<1x16xf32>,
      %get3A_419 = vector.shape_cast %get3A_418 : vector<1x16xf32> to vector<16xf32>
      %add3A_420 = arith.addf %add3A_414, %get3A_419 : vector<16xf32>
      %get3A_421 = arith.constant 125 : i32
      %get3A_422 = arith.index_cast %get3A_421 : i32 to index
      %get3A_423 = arith.constant 0 : index
      %get3A_424 = tpu.vector_load %arg4[%get3A_422, %get3A_423] {strides = array<i32>} : memref<128x16xf32, #tpu.memory_space<vmem>>, vector<1x16xf32>,
      %get3A_425 = vector.shape_cast %get3A_424 : vector<1x16xf32> to vector<16xf32>
      %add3A_426 = arith.addf %add3A_420, %get3A_425 : vector<16xf32>
      %mul3A_427 = arith.constant 0.111111112 : f32
      %mul3A_428 = vector.broadcast %mul3A_427 : f32 to vector<16xf32>
      %mul3A_429 = arith.mulf %add3A_426, %mul3A_428 : vector<16xf32>
      %swap3A_430 = arith.constant 5 : i32
      %swap3A_431 = arith.index_cast %swap3A_430 : i32 to index
      %swap3A_432 = arith.constant 0 : index
      %swap3A_433 = tpu.vector_load %arg5[%swap3A_431, %swap3A_432] {strides = array<i32>} : memref<8x16xf32, #tpu.memory_space<vmem>>, vector<1x16xf32>,
      %swap3A_434 = vector.shape_cast %swap3A_433 : vector<1x16xf32> to vector<16xf32>
      %swap3A_435 = vector.shape_cast %mul3A_429 : vector<16xf32> to vector<1x16xf32>
      tpu.vector_store %arg5[%swap3A_431, %swap3A_432], %swap3A_435 {strides = array<i32>} : memref<8x16xf32, #tpu.memory_space<vmem>>, vector<1x16xf32>,
      %broadcast_in_dim3A_436 = arith.constant 0.000000e+00 : f32
      %broadcast_in_dim3A_437 = vector.broadcast %broadcast_in_dim3A_436 : f32 to vector<16xf32>
      %get3A_438 = arith.constant 46 : i32
      %get3A_439 = arith.index_cast %get3A_438 : i32 to index
      %get3A_440 = arith.constant 0 : index
      %get3A_441 = tpu.vector_load %arg4[%get3A_439, %get3A_440] {strides = array<i32>} : memref<128x16xf32, #tpu.memory_space<vmem>>, vector<1x16xf32>,
      %get3A_442 = vector.shape_cast %get3A_441 : vector<1x16xf32> to vector<16xf32>
      %add3A_443 = arith.addf %broadcast_in_dim3A_437, %get3A_442 : vector<16xf32>
      %get3A_444 = arith.constant 47 : i32
      %get3A_445 = arith.index_cast %get3A_444 : i32 to index
      %get3A_446 = arith.constant 0 : index
      %get3A_447 = tpu.vector_load %arg4[%get3A_445, %get3A_446] {strides = array<i32>} : memref<128x16xf32, #tpu.memory_space<vmem>>, vector<1x16xf32>,
      %get3A_448 = vector.shape_cast %get3A_447 : vector<1x16xf32> to vector<16xf32>
      %add3A_449 = arith.addf %add3A_443, %get3A_448 : vector<16xf32>
      %get3A_450 = arith.constant 48 : i32
      %get3A_451 = arith.index_cast %get3A_450 : i32 to index
      %get3A_452 = arith.constant 0 : index
      %get3A_453 = tpu.vector_load %arg4[%get3A_451, %get3A_452] {strides = array<i32>} : memref<128x16xf32, #tpu.memory_space<vmem>>, vector<1x16xf32>,
      %get3A_454 = vector.shape_cast %get3A_453 : vector<1x16xf32> to vector<16xf32>
      %add3A_455 = arith.addf %add3A_449, %get3A_454 : vector<16xf32>
      %get3A_456 = arith.constant 49 : i32
      %get3A_457 = arith.index_cast %get3A_456 : i32 to index
      %get3A_458 = arith.constant 0 : index
      %get3A_459 = tpu.vector_load %arg4[%get3A_457, %get3A_458] {strides = array<i32>} : memref<128x16xf32, #tpu.memory_space<vmem>>, vector<1x16xf32>,
      %get3A_460 = vector.shape_cast %get3A_459 : vector<1x16xf32> to vector<16xf32>
      %add3A_461 = arith.addf %add3A_455, %get3A_460 : vector<16xf32>
      %mul3A_462 = arith.constant 2.500000e-01 : f32
      %mul3A_463 = vector.broadcast %mul3A_462 : f32 to vector<16xf32>
      %mul3A_464 = arith.mulf %add3A_461, %mul3A_463 : vector<16xf32>
      %swap3A_465 = arith.constant 6 : i32
      %swap3A_466 = arith.index_cast %swap3A_465 : i32 to index
      %swap3A_467 = arith.constant 0 : index
      %swap3A_468 = tpu.vector_load %arg5[%swap3A_466, %swap3A_467] {strides = array<i32>} : memref<8x16xf32, #tpu.memory_space<vmem>>, vector<1x16xf32>,
      %swap3A_469 = vector.shape_cast %swap3A_468 : vector<1x16xf32> to vector<16xf32>
      %swap3A_470 = vector.shape_cast %mul3A_464 : vector<16xf32> to vector<1x16xf32>
      tpu.vector_store %arg5[%swap3A_466, %swap3A_467], %swap3A_470 {strides = array<i32>} : memref<8x16xf32, #tpu.memory_space<vmem>>, vector<1x16xf32>,
      %broadcast_in_dim3A_471 = arith.constant 0.000000e+00 : f32
      %broadcast_in_dim3A_472 = vector.broadcast %broadcast_in_dim3A_471 : f32 to vector<16xf32>
      %get3A_473 = arith.constant 68 : i32
      %get3A_474 = arith.index_cast %get3A_473 : i32 to index
      %get3A_475 = arith.constant 0 : index
      %get3A_476 = tpu.vector_load %arg4[%get3A_474, %get3A_475] {strides = array<i32>} : memref<128x16xf32, #tpu.memory_space<vmem>>, vector<1x16xf32>,
      %get3A_477 = vector.shape_cast %get3A_476 : vector<1x16xf32> to vector<16xf32>
      %add3A_478 = arith.addf %broadcast_in_dim3A_472, %get3A_477 : vector<16xf32>
      %get3A_479 = arith.constant 69 : i32
      %get3A_480 = arith.index_cast %get3A_479 : i32 to index
      %get3A_481 = arith.constant 0 : index
      %get3A_482 = tpu.vector_load %arg4[%get3A_480, %get3A_481] {strides = array<i32>} : memref<128x16xf32, #tpu.memory_space<vmem>>, vector<1x16xf32>,
      %get3A_483 = vector.shape_cast %get3A_482 : vector<1x16xf32> to vector<16xf32>
      %add3A_484 = arith.addf %add3A_478, %get3A_483 : vector<16xf32>
      %get3A_485 = arith.constant 70 : i32
      %get3A_486 = arith.index_cast %get3A_485 : i32 to index
      %get3A_487 = arith.constant 0 : index
      %get3A_488 = tpu.vector_load %arg4[%get3A_486, %get3A_487] {strides = array<i32>} : memref<128x16xf32, #tpu.memory_space<vmem>>, vector<1x16xf32>,
      %get3A_489 = vector.shape_cast %get3A_488 : vector<1x16xf32> to vector<16xf32>
      %add3A_490 = arith.addf %add3A_484, %get3A_489 : vector<16xf32>
      %get3A_491 = arith.constant 71 : i32
      %get3A_492 = arith.index_cast %get3A_491 : i32 to index
      %get3A_493 = arith.constant 0 : index
      %get3A_494 = tpu.vector_load %arg4[%get3A_492, %get3A_493] {strides = array<i32>} : memref<128x16xf32, #tpu.memory_space<vmem>>, vector<1x16xf32>,
      %get3A_495 = vector.shape_cast %get3A_494 : vector<1x16xf32> to vector<16xf32>
      %add3A_496 = arith.addf %add3A_490, %get3A_495 : vector<16xf32>
      %get3A_497 = arith.constant 72 : i32
      %get3A_498 = arith.index_cast %get3A_497 : i32 to index
      %get3A_499 = arith.constant 0 : index
      %get3A_500 = tpu.vector_load %arg4[%get3A_498, %get3A_499] {strides = array<i32>} : memref<128x16xf32, #tpu.memory_space<vmem>>, vector<1x16xf32>,
      %get3A_501 = vector.shape_cast %get3A_500 : vector<1x16xf32> to vector<16xf32>
      %add3A_502 = arith.addf %add3A_496, %get3A_501 : vector<16xf32>
      %get3A_503 = arith.constant 73 : i32
      %get3A_504 = arith.index_cast %get3A_503 : i32 to index
      %get3A_505 = arith.constant 0 : index
      %get3A_506 = tpu.vector_load %arg4[%get3A_504, %get3A_505] {strides = array<i32>} : memref<128x16xf32, #tpu.memory_space<vmem>>, vector<1x16xf32>,
      %get3A_507 = vector.shape_cast %get3A_506 : vector<1x16xf32> to vector<16xf32>
      %add3A_508 = arith.addf %add3A_502, %get3A_507 : vector<16xf32>
      %get3A_509 = arith.constant 74 : i32
      %get3A_510 = arith.index_cast %get3A_509 : i32 to index
      %get3A_511 = arith.constant 0 : index
      %get3A_512 = tpu.vector_load %arg4[%get3A_510, %get3A_511] {strides = array<i32>} : memref<128x16xf32, #tpu.memory_space<vmem>>, vector<1x16xf32>,
      %get3A_513 = vector.shape_cast %get3A_512 : vector<1x16xf32> to vector<16xf32>
      %add3A_514 = arith.addf %add3A_508, %get3A_513 : vector<16xf32>
      %get3A_515 = arith.constant 75 : i32
      %get3A_516 = arith.index_cast %get3A_515 : i32 to index
      %get3A_517 = arith.constant 0 : index
      %get3A_518 = tpu.vector_load %arg4[%get3A_516, %get3A_517] {strides = array<i32>} : memref<128x16xf32, #tpu.memory_space<vmem>>, vector<1x16xf32>,
      %get3A_519 = vector.shape_cast %get3A_518 : vector<1x16xf32> to vector<16xf32>
      %add3A_520 = arith.addf %add3A_514, %get3A_519 : vector<16xf32>
      %get3A_521 = arith.constant 76 : i32
      %get3A_522 = arith.index_cast %get3A_521 : i32 to index
      %get3A_523 = arith.constant 0 : index
      %get3A_524 = tpu.vector_load %arg4[%get3A_522, %get3A_523] {strides = array<i32>} : memref<128x16xf32, #tpu.memory_space<vmem>>, vector<1x16xf32>,
      %get3A_525 = vector.shape_cast %get3A_524 : vector<1x16xf32> to vector<16xf32>
      %add3A_526 = arith.addf %add3A_520, %get3A_525 : vector<16xf32>
      %get3A_527 = arith.constant 77 : i32
      %get3A_528 = arith.index_cast %get3A_527 : i32 to index
      %get3A_529 = arith.constant 0 : index
      %get3A_530 = tpu.vector_load %arg4[%get3A_528, %get3A_529] {strides = array<i32>} : memref<128x16xf32, #tpu.memory_space<vmem>>, vector<1x16xf32>,
      %get3A_531 = vector.shape_cast %get3A_530 : vector<1x16xf32> to vector<16xf32>
      %add3A_532 = arith.addf %add3A_526, %get3A_531 : vector<16xf32>
      %get3A_533 = arith.constant 78 : i32
      %get3A_534 = arith.index_cast %get3A_533 : i32 to index
      %get3A_535 = arith.constant 0 : index
      %get3A_536 = tpu.vector_load %arg4[%get3A_534, %get3A_535] {strides = array<i32>} : memref<128x16xf32, #tpu.memory_space<vmem>>, vector<1x16xf32>,
      %get3A_537 = vector.shape_cast %get3A_536 : vector<1x16xf32> to vector<16xf32>
      %add3A_538 = arith.addf %add3A_532, %get3A_537 : vector<16xf32>
      %get3A_539 = arith.constant 79 : i32
      %get3A_540 = arith.index_cast %get3A_539 : i32 to index
      %get3A_541 = arith.constant 0 : index
      %get3A_542 = tpu.vector_load %arg4[%get3A_540, %get3A_541] {strides = array<i32>} : memref<128x16xf32, #tpu.memory_space<vmem>>, vector<1x16xf32>,
      %get3A_543 = vector.shape_cast %get3A_542 : vector<1x16xf32> to vector<16xf32>
      %add3A_544 = arith.addf %add3A_538, %get3A_543 : vector<16xf32>
      %get3A_545 = arith.constant 80 : i32
      %get3A_546 = arith.index_cast %get3A_545 : i32 to index
      %get3A_547 = arith.constant 0 : index
      %get3A_548 = tpu.vector_load %arg4[%get3A_546, %get3A_547] {strides = array<i32>} : memref<128x16xf32, #tpu.memory_space<vmem>>, vector<1x16xf32>,
      %get3A_549 = vector.shape_cast %get3A_548 : vector<1x16xf32> to vector<16xf32>
      %add3A_550 = arith.addf %add3A_544, %get3A_549 : vector<16xf32>
      %get3A_551 = arith.constant 81 : i32
      %get3A_552 = arith.index_cast %get3A_551 : i32 to index
      %get3A_553 = arith.constant 0 : index
      %get3A_554 = tpu.vector_load %arg4[%get3A_552, %get3A_553] {strides = array<i32>} : memref<128x16xf32, #tpu.memory_space<vmem>>, vector<1x16xf32>,
      %get3A_555 = vector.shape_cast %get3A_554 : vector<1x16xf32> to vector<16xf32>
      %add3A_556 = arith.addf %add3A_550, %get3A_555 : vector<16xf32>
      %get3A_557 = arith.constant 82 : i32
      %get3A_558 = arith.index_cast %get3A_557 : i32 to index
      %get3A_559 = arith.constant 0 : index
      %get3A_560 = tpu.vector_load %arg4[%get3A_558, %get3A_559] {strides = array<i32>} : memref<128x16xf32, #tpu.memory_space<vmem>>, vector<1x16xf32>,
      %get3A_561 = vector.shape_cast %get3A_560 : vector<1x16xf32> to vector<16xf32>
      %add3A_562 = arith.addf %add3A_556, %get3A_561 : vector<16xf32>
      %get3A_563 = arith.constant 83 : i32
      %get3A_564 = arith.index_cast %get3A_563 : i32 to index
      %get3A_565 = arith.constant 0 : index
      %get3A_566 = tpu.vector_load %arg4[%get3A_564, %get3A_565] {strides = array<i32>} : memref<128x16xf32, #tpu.memory_space<vmem>>, vector<1x16xf32>,
      %get3A_567 = vector.shape_cast %get3A_566 : vector<1x16xf32> to vector<16xf32>
      %add3A_568 = arith.addf %add3A_562, %get3A_567 : vector<16xf32>
      %get3A_569 = arith.constant 84 : i32
      %get3A_570 = arith.index_cast %get3A_569 : i32 to index
      %get3A_571 = arith.constant 0 : index
      %get3A_572 = tpu.vector_load %arg4[%get3A_570, %get3A_571] {strides = array<i32>} : memref<128x16xf32, #tpu.memory_space<vmem>>, vector<1x16xf32>,
      %get3A_573 = vector.shape_cast %get3A_572 : vector<1x16xf32> to vector<16xf32>
      %add3A_574 = arith.addf %add3A_568, %get3A_573 : vector<16xf32>
      %get3A_575 = arith.constant 85 : i32
      %get3A_576 = arith.index_cast %get3A_575 : i32 to index
      %get3A_577 = arith.constant 0 : index
      %get3A_578 = tpu.vector_load %arg4[%get3A_576, %get3A_577] {strides = array<i32>} : memref<128x16xf32, #tpu.memory_space<vmem>>, vector<1x16xf32>,
      %get3A_579 = vector.shape_cast %get3A_578 : vector<1x16xf32> to vector<16xf32>
      %add3A_580 = arith.addf %add3A_574, %get3A_579 : vector<16xf32>
      %get3A_581 = arith.constant 86 : i32
      %get3A_582 = arith.index_cast %get3A_581 : i32 to index
      %get3A_583 = arith.constant 0 : index
      %get3A_584 = tpu.vector_load %arg4[%get3A_582, %get3A_583] {strides = array<i32>} : memref<128x16xf32, #tpu.memory_space<vmem>>, vector<1x16xf32>,
      %get3A_585 = vector.shape_cast %get3A_584 : vector<1x16xf32> to vector<16xf32>
      %add3A_586 = arith.addf %add3A_580, %get3A_585 : vector<16xf32>
      %get3A_587 = arith.constant 87 : i32
      %get3A_588 = arith.index_cast %get3A_587 : i32 to index
      %get3A_589 = arith.constant 0 : index
      %get3A_590 = tpu.vector_load %arg4[%get3A_588, %get3A_589] {strides = array<i32>} : memref<128x16xf32, #tpu.memory_space<vmem>>, vector<1x16xf32>,
      %get3A_591 = vector.shape_cast %get3A_590 : vector<1x16xf32> to vector<16xf32>
      %add3A_592 = arith.addf %add3A_586, %get3A_591 : vector<16xf32>
      %mul3A_593 = arith.constant 5.000000e-02 : f32
      %mul3A_594 = vector.broadcast %mul3A_593 : f32 to vector<16xf32>
      %mul3A_595 = arith.mulf %add3A_592, %mul3A_594 : vector<16xf32>
      %swap3A_596 = arith.constant 7 : i32
      %swap3A_597 = arith.index_cast %swap3A_596 : i32 to index
      %swap3A_598 = arith.constant 0 : index
      %swap3A_599 = tpu.vector_load %arg5[%swap3A_597, %swap3A_598] {strides = array<i32>} : memref<8x16xf32, #tpu.memory_space<vmem>>, vector<1x16xf32>,
      %swap3A_600 = vector.shape_cast %swap3A_599 : vector<1x16xf32> to vector<16xf32>
      %swap3A_601 = vector.shape_cast %mul3A_595 : vector<16xf32> to vector<1x16xf32>
      tpu.vector_store %arg5[%swap3A_597, %swap3A_598], %swap3A_601 {strides = array<i32>} : memref<8x16xf32, #tpu.memory_space<vmem>>, vector<1x16xf32>,
      "tpu.region"() ({
        %run_scoped3A = tpu.sem_alloc : memref<!tpu.dma_semaphore, #tpu.memory_space<semaphore_mem>>
        %dma_start3A = arith.constant 0 : i32
        %dma_start3A_602 = arith.constant 0 : i32
        %dma_start3A_603 = tpu.memref_slice %arg5[%dma_start3A, %dma_start3A_602] : memref<8x16xf32, #tpu.memory_space<vmem>> -> memref<8x16xf32, #tpu.memory_space<vmem>>
        %dma_start3A_604 = arith.constant 8 : i32
        %dma_start3A_605 = tpu.memref_slice %arg3[%dma_start3A_604, %mul3A_0] : memref<16x256xf32, #tpu.memory_space<hbm>> -> memref<8x16xf32, #tpu.memory_space<hbm>>
        %dma_start3A_606 = arith.constant 8 : i32
        %dma_start3A_607 = tpu.memref_slice %arg3[%dma_start3A_606, %mul3A_0] : memref<16x256xf32, #tpu.memory_space<hbm>> -> memref<8x16xf32, #tpu.memory_space<hbm>>
        %dma_start3A_608 = arith.constant 0 : i32
        %dma_start3A_609 = arith.constant 0 : i32
        %dma_start3A_610 = tpu.memref_slice %arg5[%dma_start3A_608, %dma_start3A_609] : memref<8x16xf32, #tpu.memory_space<vmem>> -> memref<8x16xf32, #tpu.memory_space<vmem>>
        tpu.enqueue_dma source(%dma_start3A_610 : memref<8x16xf32, #tpu.memory_space<vmem>>) target(%dma_start3A_607 : memref<8x16xf32, #tpu.memory_space<hbm>>) target_semaphore(%run_scoped3A : memref<!tpu.dma_semaphore, #tpu.memory_space<semaphore_mem>>)
        %dma_wait3A = arith.constant 0 : i32
        %dma_wait3A_611 = arith.constant 0 : i32
        %dma_wait3A_612 = tpu.memref_slice %arg5[%dma_wait3A, %dma_wait3A_611] : memref<8x16xf32, #tpu.memory_space<vmem>> -> memref<8x16xf32, #tpu.memory_space<vmem>>
        %dma_wait3A_613 = arith.constant 8 : i32
        %dma_wait3A_614 = tpu.memref_slice %arg3[%dma_wait3A_613, %mul3A_0] : memref<16x256xf32, #tpu.memory_space<hbm>> -> memref<8x16xf32, #tpu.memory_space<hbm>>
        %dma_wait3A_615 = arith.constant 8 : i32
        %dma_wait3A_616 = tpu.memref_slice %arg3[%dma_wait3A_615, %mul3A_0] : memref<16x256xf32, #tpu.memory_space<hbm>> -> memref<8x16xf32, #tpu.memory_space<hbm>>
        %dma_wait3A_617 = arith.constant 0 : i32
        %dma_wait3A_618 = arith.constant 0 : i32
        %dma_wait3A_619 = tpu.memref_slice %arg5[%dma_wait3A_617, %dma_wait3A_618] : memref<8x16xf32, #tpu.memory_space<vmem>> -> memref<8x16xf32, #tpu.memory_space<vmem>>
        tpu.wait_dma2 semaphore(%run_scoped3A : memref<!tpu.dma_semaphore, #tpu.memory_space<semaphore_mem>>) src(%dma_wait3A_619 : memref<8x16xf32, #tpu.memory_space<vmem>>) dst(%dma_wait3A_616 : memref<8x16xf32, #tpu.memory_space<hbm>>)
        tpu.yield
      }) : () -> ()
    } else {
    }
    return
  }
}

module attributes {stable_mosaic.version = 14 : i64} {
  func.func @_tc_logits_t_body(%arg0: i32, %arg1: memref<256x2048xf32, #tpu.memory_space<vmem>>, %arg2: memref<2048x512xf32, #tpu.memory_space<vmem>>, %arg3: memref<1x512xf32, #tpu.memory_space<vmem>>, %arg4: memref<512x256xf32, #tpu.memory_space<vmem>>) attributes {dimension_semantics = [#tpu.dimension_semantics<arbitrary>], iteration_bounds = array<i64: 1>, scalar_prefetch = 0 : i64, scratch_operands = 0 : i64, tpu.core_type = #tpu.core_type<tc>, window_params = [{pipeline_mode = #tpu.pipeline_mode<synchronous>, transform_indices = @transform_0, window_bounds = array<i64: 256, 2048>}, {transform_indices = @transform_1, window_bounds = array<i64: 2048, 512>}, {pipeline_mode = #tpu.pipeline_mode<synchronous>, transform_indices = @transform_2, window_bounds = array<i64: 1, 512>}, {pipeline_mode = #tpu.pipeline_mode<synchronous>, transform_indices = @transform_3, window_bounds = array<i64: 512, 256>}]} {
    %get3A = arith.constant 0 : index
    %get3A_0 = arith.constant 0 : index
    %get3A_1 = vector.load %arg1[%get3A, %get3A_0] : memref<256x2048xf32, #tpu.memory_space<vmem>>, vector<256x2048xf32>
    %get3A_2 = arith.constant 0 : index
    %get3A_3 = arith.constant 0 : index
    %get3A_4 = vector.load %arg2[%get3A_2, %get3A_3] : memref<2048x512xf32, #tpu.memory_space<vmem>>, vector<2048x512xf32>
    %dot_general3A = arith.constant dense<0.000000e+00> : vector<256x512xf32>
    %dot_general3A_5 = tpu.matmul %get3A_1, %get3A_4, %dot_general3A {dimension_numbers = #tpu.dot_dimension_numbers<[1], [0], [0], [1], [0, 0, 1, 1], [], []>, transpose_lhs_hint = false} : vector<256x2048xf32>, vector<2048x512xf32>, vector<256x512xf32> -> vector<256x512xf32>
    %get3A_6 = arith.constant 0 : index
    %get3A_7 = arith.constant 0 : index
    %get3A_8 = vector.load %arg3[%get3A_6, %get3A_7] : memref<1x512xf32, #tpu.memory_space<vmem>>, vector<1x512xf32>
    %add3A = vector.broadcast %get3A_8 : vector<1x512xf32> to vector<256x512xf32>
    %add3A_9 = arith.addf %dot_general3A_5, %add3A : vector<256x512xf32>
    %transpose3A = tpu.transpose %add3A_9, [1, 0] : vector<256x512xf32> -> vector<512x256xf32>
    %swap3A = arith.constant 0 : index
    %swap3A_10 = arith.constant 0 : index
    %swap3A_11 = vector.load %arg4[%swap3A, %swap3A_10] : memref<512x256xf32, #tpu.memory_space<vmem>>, vector<512x256xf32>
    tpu.vector_store %arg4[%swap3A, %swap3A_10], %transpose3A {strides = array<i32>} : memref<512x256xf32, #tpu.memory_space<vmem>>, vector<512x256xf32>,
    return
  }
  func.func @transform_0(%arg0: i32) -> (i32, i32) {
    %c0_i32 = arith.constant 0 : i32
    %c0_i32_0 = arith.constant 0 : i32
    %c0_i32_1 = arith.constant 0 : i32
    return %c0_i32, %c0_i32_0 : i32, i32
  }
  func.func @transform_1(%arg0: i32) -> (i32, i32) {
    %c0_i32 = arith.constant 0 : i32
    %c0_i32_0 = arith.constant 0 : i32
    %c0_i32_1 = arith.constant 0 : i32
    return %c0_i32, %c0_i32_0 : i32, i32
  }
  func.func @transform_2(%arg0: i32) -> (i32, i32) {
    %c0_i32 = arith.constant 0 : i32
    %c0_i32_0 = arith.constant 0 : i32
    %c0_i32_1 = arith.constant 0 : i32
    return %c0_i32, %c0_i32_0 : i32, i32
  }
  func.func @transform_3(%arg0: i32) -> (i32, i32) {
    %c0_i32 = arith.constant 0 : i32
    %c0_i32_0 = arith.constant 0 : i32
    %c0_i32_1 = arith.constant 0 : i32
    return %c0_i32, %c0_i32_0 : i32, i32
  }
}

</mosaic_0001>

<sc_bundles>
// kernel: kernel.4.cloned.1.call-start
scs
__scs_entry_jumppad:
0x0: {  	(pc) =	sbr.rel $0x88, $3  }
0x1: {  	(tag) =	ssettag $0x0;
	lr =	simm.s32 $0x1  }
0x2: {  	[smem:$0x3F9E] =	sst lr;
	_ =	strace $0xD0000000  }
0x3: {  	_ = 	snop  }
0x4: {  	_ = 	snop  }
0x5: {  	_ = 	snop  }
0x6: {  	_ = 	snop  }
0x7: {  	_ = 	snop  }
__scs_overlays_trampoline_lowered:
0x8: {  	[smem:$0x3FAD] =	sst s0  }
0x9: {  	[smem:$0x3FAE] =	sst s1  }
0xa: {  	[smem:$0x3FAF] =	sst s2  }
0xb: {  	[smem:$0x3FB0] =	sst s3  }
0xc: {  	[smem:$0x3FB1] =	sst s4  }
0xd: {  	[smem:$0x3FB2] =	sst s5  }
0xe: {  	[smem:$0x3FB3] =	sst s6  }
0xf: {  	[smem:$0x3FB4] =	sst s7  }
0x10: {  	[smem:$0x3FB5] =	sst s8  }
0x11: {  	[smem:$0x3FB6] =	sst s9;
	s0 =	simm.s32 @!p0 $0x0  }
0x12: {  	s1 =	sld [smem:$0x3F9C];
	s0 =	simm.s32 @p0 $0x1  }
0x13: {  	[smem:$0x3FB7] =	sst s0;
	s0 =	simm.s32 @!p1 $0x0  }
0x14: {  	s2 =	sld [smem:$0x3F9B];
	s0 =	simm.s32 @p1 $0x1  }
0x15: {  	[smem:$0x3FB8] =	sst s0;
	s0 =	simm.s32 @!p2 $0x0  }
0x16: {  	s3 =	sld [smem:$0x3FDB];
	s0 =	simm.s32 @p2 $0x1  }
0x17: {  	s4 =	simm.s32 $0x1BF5;
	[smem:$0x3FBA] =	sst s0  }
0x18: {  	s0 =	sld [smem:$0x3F9D];
	_ =	swait.ge [sflag:s4], $0x0  }
0x19: {  	s7 =	sld [smem:$0x3F9E]  }
0x1a: {  	s8 =	sadd.s32 $0xFFFFE003, lr  }
0x1b: {  	s9 =	sadd.s32 $0xFFFFFEF7, lr;
	s5 =	simm.s32 $0xFFFFFFFF;
	p2 =	slt.u32 s8, $0xFFFFF086  }
0x1c: {  	p1 =	slt.u32 s9, $0xF7A;
	s5 =	simm.s32 @!p2 $0x0  }
0x1d: {  	s5 =	simm.s32 @p1 $0x1;
	p0 =	seq.s32 s7, s2  }
0x1e: {  	s7 =	smul.u32 @!p0 $0xF7A, s2;
	p2 =	seq.s32 @!p0 s5, $0x0  }
0x1f: {  	s9 =	smul.u32 $0xF7A, s1;
	s8 =	simm.s32 @!p0 $0x1BF5;
	p2 =	por !p2, p0  }
0x20: {  	[sflag:s8] =	ssyncset.s32 @!p0 $0xFFFFF086;
	s6 =	sadd.s32 @!p0 s3, s7;
	s7 =	simm.s32 @!p0 $0x108  }
0x21: {  	s3 =	sadd.s32 s3, s9;
	s6 =	sadd.s32 @!p0 $0x88, s6;
	s7 =	simm.s32 @p2 $0x1082  }
0x22: {  	[simem:s7], [sflag:s8] =	dma.local @!p0 [hbm:s6], $0xF7A  }
0x23: {  	s9 =	sor.u32 $0xD0000000, s2;
	s6 =	simm.s32 $0x108;
	_ =	swait.ge @!p0 [sflag:s8], $0x0  }
0x24: {  	s3 =	sadd.s32 $0x88, s3;
	s6 =	simm.s32 @!p1 $0x1082;
	[sflag:s4] =	ssyncset.s32 $0xFFFFF086  }
0x25: {  	[simem:s6], [sflag:s4] =	dma.local [hbm:s3], $0xF7A  }
0x26: {  	[smem:$0x3F9E] =	sst s1;
	(tag) =	ssettag s2;
	_ =	strace s9  }
0x27: {  	s1 =	sld [smem:$0x3FAE]  }
0x28: {  	s2 =	sld [smem:$0x3FAF]  }
0x29: {  	s4 =	sld [smem:$0x3FB1]  }
0x2a: {  	p0 =	seq.s32 s5, $0x0;
	s5 =	sld [smem:$0x3FB2]  }
0x2b: {  	s6 =	sld [smem:$0x3FB3]  }
0x2c: {  	s7 =	sld [smem:$0x3FB4]  }
0x2d: {  	s3 =	simm.s32 $0x108;
	s8 =	sld [smem:$0x3FB5]  }
0x2e: {  	s3 =	simm.s32 @!p0 $0x1082;
	s9 =	sld [smem:$0x3FB6]  }
0x2f: {  	lr =	sadd.s32 s0, s3;
	s0 =	sld [smem:$0x3FAD]  }
0x30: {  	s3 =	sld [smem:$0x3FB0]  }
0x31: {  	[smem:$0x3FB9] =	sst s10  }
0x32: {  	s10 =	sld [smem:$0x3FB7];
	_ =	sdelay $0x3  }
0x33: {  	p0 =	seq.s32 s10, $0x1;
	s10 =	sld [smem:$0x3FB9];
	_ =	sdelay $0x3  }
0x34: {  	[smem:$0x3FB9] =	sst s10  }
0x35: {  	s10 =	sld [smem:$0x3FB8];
	_ =	sdelay $0x3  }
0x36: {  	p1 =	seq.s32 s10, $0x1;
	s10 =	sld [smem:$0x3FB9];
	_ =	sdelay $0x3  }
0x37: {  	[smem:$0x3FB9] =	sst s10  }
0x38: {  	s10 =	sld [smem:$0x3FBA]  }
0x39: {  	_ = 	snop;
	(pc) =	sbr.ind lr, $3  }
0x3a: {  	_ = 	snop  }
0x3b: {  	_ = 	snop  }
0x3c: {  	p2 =	seq.s32 s10, $0x1;
	s10 =	sld [smem:$0x3FB9]  }
0x3d: {  	_ =	shalt  }
0x3e: {  	_ =	shalt  }
0x3f: {  	_ =	shalt  }
0x40: {  	_ =	shalt  }
0x41: {  	_ =	shalt  }
0x42: {  	_ =	shalt  }
0x43: {  	_ =	shalt  }
0x44: {  	_ =	shalt  }
0x45: {  	_ =	shalt  }
0x46: {  	_ =	shalt  }
0x47: {  	_ =	shalt  }
0x48: {  	_ =	shalt  }
0x49: {  	_ =	shalt  }
0x4a: {  	_ =	shalt  }
0x4b: {  	_ =	shalt  }
0x4c: {  	_ =	shalt  }
0x4d: {  	_ =	shalt  }
0x4e: {  	_ =	shalt  }
0x4f: {  	_ =	shalt  }
0x50: {  	_ =	shalt  }
0x51: {  	_ =	shalt  }
0x52: {  	_ =	shalt  }
0x53: {  	_ =	shalt  }
0x54: {  	_ =	shalt  }
0x55: {  	_ =	shalt  }
0x56: {  	_ =	shalt  }
0x57: {  	_ =	shalt  }
0x58: {  	_ =	shalt  }
0x59: {  	_ =	shalt  }
0x5a: {  	_ =	shalt  }
0x5b: {  	_ =	shalt  }
0x5c: {  	_ =	shalt  }
0x5d: {  	_ =	shalt  }
0x5e: {  	_ =	shalt  }
0x5f: {  	_ =	shalt  }
0x60: {  	_ =	shalt  }
0x61: {  	_ =	shalt  }
0x62: {  	_ =	shalt  }
0x63: {  	_ =	shalt  }
0x64: {  	_ =	shalt  }
0x65: {  	_ =	shalt  }
0x66: {  	_ =	shalt  }
0x67: {  	_ =	shalt  }
0x68: {  	_ =	shalt  }
0x69: {  	_ =	shalt  }
0x6a: {  	_ =	shalt  }
0x6b: {  	_ =	shalt  }
0x6c: {  	_ =	shalt  }
0x6d: {  	_ =	shalt  }
0x6e: {  	_ =	shalt  }
0x6f: {  	_ =	shalt  }
0x70: {  	_ =	shalt  }
0x71: {  	_ =	shalt  }
0x72: {  	_ =	shalt  }
0x73: {  	_ =	shalt  }
0x74: {  	_ =	shalt  }
0x75: {  	_ =	shalt  }
0x76: {  	_ =	shalt  }
0x77: {  	_ =	shalt  }
0x78: {  	_ =	shalt  }
0x79: {  	_ =	shalt  }
0x7a: {  	_ =	shalt  }
0x7b: {  	_ =	shalt  }
0x7c: {  	_ =	shalt  }
0x7d: {  	_ =	shalt  }
0x7e: {  	_ =	shalt  }
0x7f: {  	_ =	shalt  }
0x80: {  	_ =	shalt  }
0x81: {  	_ =	shalt  }
0x82: {  	_ =	shalt  }
0x83: {  	_ =	shalt  }
0x84: {  	_ =	shalt  }
0x85: {  	_ =	shalt  }
0x86: {  	_ =	shalt  }
0x87: {  	_ =	shalt  }
.Lfunc_end0:
.L_simem_size_0:
called_computation_lowered:
.L_overlay_start_0:
0x88: {  	s2 =	sld [smem:$0x3FD9]  }
0x89: {  	s3 =	sld [smem:$0x3FFE];
	_ =	sdelay $0x1  }
0x8a: {  	s1 =	srdreg.scid  }
0x8b: {  	s0 =	sand.u32 $0x1, s1  }
0x8c: {  	s17 =	sshll.u32 s0, $0xA;
	s2 =	sadd.s32 s3, s2  }
0x8d: {  	s2 =	sadd.s32 s2, s17  }
0x8e: {  	[smem:$0x3FC5] =	sst s2  }
0x8f: {  	_ = 	snop  }
0x90: {  	s2 =	sld [smem:$0x3FD0];
	(tm) =	ssettm $0x1  }
0x91: {  	s18 =	sld [smem:$0x3FFB];
	_ =	sdelay $0x3  }
0x92: {  	_ =	strace s18  }
0x93: {  	s3 =	sld [smem:$0x3FFC];
	_ =	sdelay $0x3  }
0x94: {  	_ =	strace s3  }
0x95: {  	s3 =	sld [smem:$0x3FFD];
	_ =	sdelay $0x3  }
0x96: {  	_ =	strace s3  }
0x97: {  	_ =	strace $0x8FFFFFFF  }
0x98: {  	s19 =	sld [smem:$0x3FDB];
	_ =	sdelay $0x1  }
0x99: {  	s4 =	simm.s32 $_scs_section_size  }
0x9a: {  	s5 =	simm.s32 $_size__tile_overlayer_lowered;
	s6 =	simm.s32 $_tile_overlayer_lowered  }
0x9b: {  	s22 =	simm.s32 $0x1BFF;
	s21 =	sshll.u32 s6, $0x1;
	s3 =	sadd.s32 s4, s19  }
0x9c: {  	s7 =	simm.s32 $0x0;
	s20 =	sshll.u32 s5, $0x1;
	s5 =	sadd.s32 s21, s3  }
0x9d: {  	[timem:s7], [sflag:s22] =	dma.local [hbm:s5], s20  }
0x9e: {  	_ =	swait.ge [sflag:s22], s20  }
0x9f: {  	s4 =	ssub.s32 $0x0, s20;
	[sflag:s22] =	ssyncset.done $0x0  }
0xa0: {  	[sflag:s22] =	ssyncadd.s32 s4;
	_ =	sdelay $0x1  }
0xa1: {  	s23 =	simm.s32 $0x1B8B  }
0xa2: {  	_ =	swait.ge [sflag:s23], $0x1  }
0xa3: {  	[sflag:s23] =	ssyncset.done $0x0  }
0xa4: {  	s25 =	simm.s32 $0x1B8E;
	s24 =	sld [smem:$0x3FFE];
	[sflag:s23] =	ssyncadd.s32 $0xFFFFFFFF  }
0xa5: {  	s26 =	simm.s32 $execute0_lowered;
	[smem:$0x3FD2] =	sst s25  }
0xa6: {  	s5 =	sshll.u32 s26, $0x1;
	_ =	strace $0x80000046;
	[dreg:$0x1] =	wrdreg $0xFFFFFFFF  }
0xa7: {  	s28 =	simm.s32 $_size_execute0_lowered;
	s3 =	sadd.s32 s3, s5;
	[dreg:$0x0] =	wrdreg $0x0  }
0xa8: {  	s5 =	sshll.u32 s28, $0x1;
	[dreg:$0x2] =	wrdreg s3  }
0xa9: {  	[dreg:$0x3] =	wrdreg s5  }
0xaa: {  	[dreg:$0x4] =	wrdreg $0xC0  }
0xab: {  	_ =	task [dreg:s7], $0x5FFFF  }
0xac: {  	[dreg:$0x1] =	wrdreg $0xFFFFFFFF  }
0xad: {  	[dreg:$0x0] =	wrdreg $0x60  }
0xae: {  	[dreg:$0x2] =	wrdreg s24  }
0xaf: {  	[dreg:$0x3] =	wrdreg s2  }
0xb0: {  	[dreg:$0x4] =	wrdreg $0x9  }
0xb1: {  	_ =	task.clear_ibuf [dreg:s7], $0x5FFFF;
	_ =	strace $0x90000046  }
0xb2: {  	s29 =	simm.s32 $0x9;
	_ =	strace $0x80000048  }
0xb3: {  	_ =	swait.ge [sflag:s29], $0x1  }
0xb4: {  	[sflag:s29] =	ssyncadd.s32 $0xFFFFFFFF  }
0xb5: {  	_ =	strace $0x90000048  }
0xb6: {  	_ =	sfence  }
0xb7: {  	s30 =	sld [smem:$0x0];
	_ =	sdelay $0x2  }
0xb8: {  	s31 =	sshll.u32 s1, $0xD;
	s1 =	sshrl.u32 s1, $0x2  }
0xb9: {  	s3 =	sand.u32 $0x4000, s31;
	s1 =	sadd.s32 s1, s30  }
0xba: {  	s0 =	sor.u32 s3, s0;
	s1 =	sshll.u32 s1, $0x11  }
0xbb: {  	s0 =	sor.u32 s1, s0  }
0xbc: {  	s0 =	sadd.s32 $0x8F2B, s0  }
0xbd: {  	[sflag:s0] =	ssyncadd.remote.s32 $0x1  }
0xbe: {  	_ =	sfence.sel $0xFFFF  }
0xbf: {  	[dreg:$0x0] =	wrdreg $0xFFFFFFFF;
	(pc) =	sbr.abs _section_cstart, $3  }
0xc0: {  	[dreg:$0x1] =	wrdreg $0xFFFFFFFF  }
0xc1: {  	_ =	task.clear_ibuf [dreg:s7], $0x2FFFF;
	_ =	strace $0x9FFFFFFF  }
0xc2: {  	(tm) =	ssettm $0x7FFFFFFF  }
0xc3: {  	_ =	shalt  }
tec
execute0_lowered:
.L_overlay_start_1:
0x0: {  	(tag) =	ssettag $0x1  }
0x1: {  	s3 =	rddreg [dreg:$0x0]  }
0x2: {  	s4 =	rddreg [dreg:$0x1]  }
0x3: {  	s1 =	srdreg.scid;
	s0 =	rddreg [dreg:$0x2]  }
0x4: {  	s2 =	simm.s32 $0x0;
	s13 =	simm.s32 $0x10;
	s14 =	simm.s32 $0x100  }
0x5: {  	s15 =	simm.s32 $0x1;
	s16 =	simm.s32 $0x280;
	s17 =	simm.s32 $0x380  }
0x6: {  	s18 =	simm.s32 $0x400;
	s19 =	simm.s32 $0x580;
	s20 =	simm.s32 $0x800  }
0x7: {  	s5 =	sand.u32 $0x1, s1;
	[smem:$0x7FF] =	sst s2;
	s1 =	stileid.u32  }
0x8: {  	s6 =	ssub.s32 $0x2, s5;
	_ =	strace $0x80000047;
	s7 =	sshll.u32 s1, $0x1  }
.Ltmp0:
0x9: {  	p0 =	seq.s32 s5, $0x1;
	s8 =	sshrl.u32 s6, $0x1;
	(pc) =	sbr.rel .LBB2_1-.Ltmp0, $4  }
0xa: {  	s10 =	sadd.s32 s7, s3;
	s4 =	sadd.s32 s4, s7;
	s12 =	ssub.s32 s6, s8  }
0xb: {  	s3 =	sadd.s32 $0x1800, s10;
	s5 =	sadd.s32 $0x900, s10;
	s6 =	sadd.s32 $0x1000, s10  }
0xc: {  	s7 =	sadd.s32 $0x1400, s10;
	s8 =	sadd.s32 $0x2900, s10;
	s9 =	sadd.s32 $0x2B00, s10  }
0xd: {  	s10 =	sadd.s32 $0x3300, s10;
	s11 =	sadd.s32 $0x100, s4;
	s12 =	smax.u32 s12, $0x1  }
.LBB2_3:
0xe: {  	[tilespmem:s2], [sflag:$0x1] =	stream.strided.gather [hbm4b:s5+s13], $0x100, s14, s13, $0x38;
	[tilespmem:$0x880] =	vst v63  }
0xf: {  	_ =	swait.ge [sflag:s15], $0x100  }
0x10: {  	[sflag:s15] =	ssyncset.done $0x0  }
0x11: {  	[sflag:s15] =	ssyncadd.s32 $0xFFFFFF00  }
0x12: {  	[tilespmem:s14], [sflag:$0x1] =	stream.strided.gather [hbm4b:s6+s13], $0x180, s14, s13, $0x38;
	[tilespmem:$0x880] =	vst v63  }
0x13: {  	_ =	swait.ge [sflag:s15], $0x180  }
0x14: {  	[sflag:s15] =	ssyncset.done $0x0  }
0x15: {  	[sflag:s15] =	ssyncadd.s32 $0xFFFFFE80  }
0x16: {  	[tilespmem:s16], [sflag:$0x1] =	stream.strided.gather [hbm4b:s7+s13], $0x100, s14, s13, $0x38;
	[tilespmem:$0x880] =	vst v63  }
0x17: {  	_ =	swait.ge [sflag:s15], $0x100  }
0x18: {  	[sflag:s15] =	ssyncset.done $0x0  }
0x19: {  	[sflag:s15] =	ssyncadd.s32 $0xFFFFFF00  }
0x1a: {  	[tilespmem:s17], [sflag:$0x1] =	stream.strided.gather [hbm4b:s8+s13], $0x80, s14, s13, $0x38;
	[tilespmem:$0x880] =	vst v63  }
0x1b: {  	_ =	swait.ge [sflag:s15], $0x80  }
0x1c: {  	[sflag:s15] =	ssyncset.done $0x0  }
0x1d: {  	[sflag:s15] =	ssyncadd.s32 $0xFFFFFF80  }
0x1e: {  	[tilespmem:s18], [sflag:$0x1] =	stream.strided.gather [hbm4b:s9+s13], $0x180, s14, s13, $0x38;
	[tilespmem:$0x880] =	vst v63  }
0x1f: {  	_ =	swait.ge [sflag:s15], $0x180  }
0x20: {  	[sflag:s15] =	ssyncset.done $0x0  }
0x21: {  	[sflag:s15] =	ssyncadd.s32 $0xFFFFFE80  }
0x22: {  	[tilespmem:s19], [sflag:$0x1] =	stream.strided.gather [hbm4b:s10+s13], $0x280, s14, s13, $0x38;
	[tilespmem:$0x880] =	vst v63  }
0x23: {  	_ =	swait.ge [sflag:s15], $0x280  }
0x24: {  	[sflag:s15] =	ssyncset.done $0x0  }
0x25: {  	[sflag:s15] =	ssyncadd.s32 $0xFFFFFD80  }
0x26: {  	v0 =	vld [tilespmem:$0x390]  }
0x27: {  	v1 =	vld [tilespmem:$0x3A0]  }
0x28: {  	v2 =	vld [tilespmem:$0x3B0]  }
0x29: {  	v3 =	vld [tilespmem:$0x3C0]  }
0x2a: {  	v4 =	vld [tilespmem:$0x3D0]  }
0x2b: {  	v5 =	vld [tilespmem:$0x60]  }
0x2c: {  	v6 =	vld [tilespmem:$0x70]  }
0x2d: {  	v7 =	vld [tilespmem:$0x80]  }
0x2e: {  	v8 =	vld [tilespmem:$0x90]  }
0x2f: {  	v9 =	vld [tilespmem:$0xA0]  }
0x30: {  	v10 =	vld [tilespmem:$0xB0]  }
0x31: {  	v11 =	vld [tilespmem:$0xC0]  }
0x32: {  	v12 =	vld [tilespmem:$0xD0]  }
0x33: {  	v13 =	vld [tilespmem:$0x100]  }
0x34: {  	v14 =	vld [tilespmem:$0x110]  }
0x35: {  	v15 =	vld [tilespmem:$0x120]  }
0x36: {  	v16 =	vld [tilespmem:$0x130]  }
0x37: {  	v17 =	vld [tilespmem:$0x140]  }
0x38: {  	v18 =	vld [tilespmem:$0x150]  }
0x39: {  	v19 =	vld [tilespmem:$0x160]  }
0x3a: {  	v20 =	vld [tilespmem:$0x170]  }
0x3b: {  	v21 =	vld [tilespmem:$0x180]  }
0x3c: {  	v22 =	vld [tilespmem:$0x190]  }
0x3d: {  	v23 =	vld [tilespmem:$0x1A0]  }
0x3e: {  	v24 =	vld [tilespmem:$0x1B0]  }
0x3f: {  	v25 =	vld [tilespmem:$0x1C0]  }
0x40: {  	v26 =	vld [tilespmem:$0x1D0]  }
0x41: {  	v27 =	vld [tilespmem:$0x1E0]  }
0x42: {  	v28 =	vld [tilespmem:$0x1F0]  }
0x43: {  	v29 =	vld [tilespmem:$0x200]  }
0x44: {  	v30 =	vld [tilespmem:$0x210]  }
0x45: {  	v31 =	vld [tilespmem:$0x220]  }
0x46: {  	v32 =	vld [tilespmem:$0x230]  }
0x47: {  	v33 =	vld [tilespmem:$0x240]  }
0x48: {  	v34 =	vld [tilespmem:$0x5D0]  }
0x49: {  	v35 =	vld [tilespmem:$0x5E0]  }
0x4a: {  	v36 =	vld [tilespmem:$0x5F0]  }
0x4b: {  	v37 =	vld [tilespmem:$0x600]  }
0x4c: {  	v38 =	vld [tilespmem:$0x610]  }
0x4d: {  	v39 =	vld [tilespmem:$0x620]  }
0x4e: {  	v40 =	vld [tilespmem:$0x630]  }
0x4f: {  	v41 =	vld [tilespmem:$0x640]  }
0x50: {  	v42 =	vld [tilespmem:$0x660]  }
0x51: {  	v45 =	vld [tilespmem:$0x670]  }
0x52: {  	v43 =	vld [tilespmem:$0x680]  }
0x53: {  	v46 =	vld [tilespmem:$0x440];
	v13 =	vadd.f32 $0.0e+00, v13  }
0x54: {  	v47 =	vld [tilespmem:$0x690];
	v0 =	vadd.f32 $0.0e+00, v0  }
0x55: {  	v48 =	vld [tilespmem:$0x450];
	v13 =	vadd.f32 v14, v13  }
0x56: {  	v49 =	vld [tilespmem:$0x460];
	v50 =	vadd.f32 $0.0e+00, v34;
	v0 =	vadd.f32 v1, v0  }
0x57: {  	v51 =	vld [tilespmem:$0x470];
	v5 =	vadd.f32 $0.0e+00, v5;
	v13 =	vadd.f32 v15, v13  }
0x58: {  	v53 =	vld [tilespmem:$0x6C0];
	v8 =	vadd.f32 $0.0e+00, v8;
	v0 =	vadd.f32 v2, v0  }
0x59: {  	v55 =	vld [tilespmem:$0x480];
	v13 =	vadd.f32 v16, v13;
	v16 =	vadd.f32 $0.0e+00, v46  }
0x5a: {  	v56 =	vld [tilespmem:$0x6D0];
	v54 =	vadd.f32 v35, v50;
	v0 =	vadd.f32 v3, v0  }
0x5b: {  	v57 =	vld [tilespmem:$0x490];
	v5 =	vadd.f32 v6, v5;
	v52 =	vadd.f32 v48, v16  }
0x5c: {  	v58 =	vld [tilespmem:$0x6E0];
	v13 =	vadd.f32 v17, v13;
	v0 =	vadd.f32 v4, v0  }
0x5d: {  	v59 =	vld [tilespmem:$0x4A0];
	v17 =	vadd.f32 v36, v54;
	v4 =	vadd.f32 v49, v52  }
0x5e: {  	v60 =	vld [tilespmem:$0x750];
	v8 =	vadd.f32 v9, v8;
	v13 =	vadd.f32 v18, v13  }
0x5f: {  	v61 =	vld [tilespmem:$0x4B0];
	v17 =	vadd.f32 v37, v17;
	v4 =	vadd.f32 v51, v4  }
0x60: {  	v62 =	vld [tilespmem:$0x760];
	v5 =	vadd.f32 v7, v5;
	v13 =	vadd.f32 v19, v13  }
0x61: {  	v63 =	vld [tilespmem:$0x4C0];
	v17 =	vadd.f32 v38, v17;
	v4 =	vadd.f32 v55, v4  }
0x62: {  	v44 =	vld [tilespmem:$0x7C0];
	v8 =	vadd.f32 v10, v8;
	v13 =	vadd.f32 v20, v13  }
0x63: {  	v34 =	vld [tilespmem:$0x4D0];
	v17 =	vadd.f32 v39, v17;
	v4 =	vadd.f32 v57, v4  }
0x64: {  	v14 =	vld [tilespmem:$0x650];
	v7 =	vadd.f32 $0.0e+00, v60;
	v13 =	vadd.f32 v21, v13  }
0x65: {  	v35 =	vld [tilespmem:$0x780];
	v17 =	vadd.f32 v40, v17;
	v4 =	vadd.f32 v59, v4  }
0x66: {  	v50 =	vld [tilespmem:$0x2F0];
	v8 =	vadd.f32 v11, v8;
	v13 =	vadd.f32 v22, v13  }
0x67: {  	v48 =	vld [tilespmem:$0x2E0];
	v17 =	vadd.f32 v41, v17;
	v4 =	vadd.f32 v61, v4  }
0x68: {  	v7 =	vadd.f32 v62, v7;
	v36 =	vld [tilespmem:$0x4E0];
	v13 =	vadd.f32 v23, v13  }
0x69: {  	v2 =	vld [tilespmem:$0x6A0];
	v14 =	vadd.f32 v14, v17;
	v4 =	vadd.f32 v63, v4  }
0x6a: {  	v8 =	vadd.f32 v12, v8;
	v38 =	vld [tilespmem:$0x4F0];
	v13 =	vadd.f32 v24, v13  }
0x6b: {  	v24 =	vld [tilespmem:$0x770];
	v14 =	vadd.f32 v42, v14;
	v4 =	vadd.f32 v34, v4  }
0x6c: {  	v10 =	vadd.f32 $0.0e+00, v48;
	v40 =	vld [tilespmem:$0x500];
	v13 =	vadd.f32 v25, v13  }
0x6d: {  	v3 =	vld [tilespmem:$0x6B0];
	v14 =	vadd.f32 v45, v14;
	v4 =	vadd.f32 v36, v4  }
0x6e: {  	v10 =	vadd.f32 v50, v10;
	v42 =	vld [tilespmem:$0x510];
	v13 =	vadd.f32 v26, v13  }
0x6f: {  	v37 =	vld [tilespmem:$0x790];
	v14 =	vadd.f32 v43, v14;
	v4 =	vadd.f32 v38, v4  }
0x70: {  	v45 =	vld [tilespmem:$0x520];
	v7 =	vadd.f32 v24, v7;
	v13 =	vadd.f32 v27, v13  }
0x71: {  	v39 =	vld [tilespmem:$0x7A0];
	v1 =	vadd.f32 v47, v14;
	v4 =	vadd.f32 v40, v4  }
0x72: {  	v47 =	vld [tilespmem:$0x530];
	v7 =	vadd.f32 v35, v7;
	v13 =	vadd.f32 v28, v13  }
0x73: {  	v41 =	vld [tilespmem:$0x7B0];
	v1 =	vadd.f32 v2, v1;
	v4 =	vadd.f32 v42, v4  }
0x74: {  	v49 =	vld [tilespmem:$0x540];
	v7 =	vadd.f32 v37, v7;
	v13 =	vadd.f32 v29, v13  }
0x75: {  	v46 =	vld [tilespmem:$0x7D0];
	v1 =	vadd.f32 v3, v1;
	v4 =	vadd.f32 v45, v4  }
0x76: {  	v51 =	vld [tilespmem:$0x550];
	v7 =	vadd.f32 v39, v7;
	v13 =	vadd.f32 v30, v13  }
0x77: {  	v52 =	vld [tilespmem:$0x300];
	v1 =	vadd.f32 v53, v1;
	v4 =	vadd.f32 v47, v4  }
0x78: {  	v53 =	vld [tilespmem:$0x560];
	v7 =	vadd.f32 v41, v7;
	v13 =	vadd.f32 v31, v13  }
0x79: {  	v54 =	vld [tilespmem:$0x310];
	v1 =	vadd.f32 v56, v1;
	v2 =	vadd.f32 v49, v4  }
0x7a: {  	v0 =	vmul.f32 $2.000000030e-01, v0;
	v55 =	vld [tilespmem:$0x570];
	v7 =	vadd.f32 v44, v7;
	v13 =	vadd.f32 v32, v13  }
0x7b: {  	v59 =	vmul.f32 $2.000000030e-01, v8;
	v57 =	vadd.f32 v58, v1;
	v2 =	vadd.f32 v51, v2  }
0x7c: {  	[tilespmem:$0x800] =	vst v0;
	v56 =	vmul.f32 $3.333333430e-01, v5;
	v58 =	vadd.f32 v52, v10;
	v60 =	vadd.f32 v46, v7  }
0x7d: {  	[tilespmem:$0x820] =	vst v59;
	v13 =	vadd.f32 v33, v13;
	v0 =	vmul.f32 $5.555555600e-02, v57;
	v2 =	vadd.f32 v53, v2  }
0x7e: {  	[tilespmem:$0x810] =	vst v56;
	v1 =	vadd.f32 v54, v58;
	v3 =	vmul.f32 $1.111111120e-01, v60  }
0x7f: {  	v61 =	vmul.f32 $4.761904850e-02, v13;
	[tilespmem:$0x840] =	vst v0;
	v2 =	vadd.f32 v55, v2  }
0x80: {  	v62 =	vmul.f32 $2.500000000e-01, v1;
	[tilespmem:$0x850] =	vst v3  }
0x81: {  	[tilespmem:$0x830] =	vst v61;
	v63 =	vmul.f32 $5.000000070e-02, v2  }
0x82: {  	[tilespmem:$0x860] =	vst v62  }
0x83: {  	s21 =	smov.u32 s11;
	[tilespmem:$0x870] =	vst v63  }
.LBB2_4:
0x84: {  	s12 =	sadd.s32 $0xFFFFFFFF, s12  }
0x85: {  	p1 =	sne.s32 s12, $0x0  }
.Ltmp1:
0x86: {  	_ = 	snop;
	(pc) =	sbr.rel @!p1 .LBB2_5-.Ltmp1, $4  }
0x87: {  	[hbm4b:s21+s13] =	stream.strided.scatter [tilespmem:s20], [sflag:$0x1], $0x80, s14, s13, $0x38;
	[tilespmem:$0x880] =	vst v63  }
0x88: {  	_ =	swait.ge [sflag:s15], $0x80  }
0x89: {  	[sflag:s15] =	ssyncset.done $0x0  }
0x8a: {  	[sflag:s15] =	ssyncadd.s32 $0xFFFFFF80  }
.LBB2_1:
.Ltmp2:
0x8b: {  	(pc) =	sbr.rel @p0 .LBB2_3-.Ltmp2, $1  }
0x8c: {  	_ =	sdelay $0x3  }
0x8d: {  	[tilespmem:s2], [sflag:$0x1] =	stream.strided.gather [hbm4b:s3+s13], $0x800, s14, s13, $0x38;
	[tilespmem:$0x880] =	vst v63  }
0x8e: {  	_ =	swait.ge [sflag:s15], $0x800  }
0x8f: {  	[sflag:s15] =	ssyncset.done $0x0  }
0x90: {  	[sflag:s15] =	ssyncadd.s32 $0xFFFFF800  }
0x91: {  	v0 =	vld [tilespmem:$0x70]  }
0x92: {  	v1 =	vld [tilespmem:$0x80]  }
0x93: {  	v2 =	vld [tilespmem:$0x90]  }
0x94: {  	v3 =	vld [tilespmem:$0xA0]  }
0x95: {  	v4 =	vld [tilespmem:$0xB0]  }
0x96: {  	v5 =	vld [tilespmem:$0xC0]  }
0x97: {  	v6 =	vld [tilespmem:$0xD0]  }
0x98: {  	v7 =	vld [tilespmem:$0xE0]  }
0x99: {  	v8 =	vld [tilespmem:$0xF0]  }
0x9a: {  	v9 =	vld [tilespmem:$0x100]  }
0x9b: {  	v10 =	vld [tilespmem:$0x110]  }
0x9c: {  	v11 =	vld [tilespmem:$0x120]  }
0x9d: {  	v12 =	vld [tilespmem:$0x130]  }
0x9e: {  	v13 =	vld [tilespmem:$0x140]  }
0x9f: {  	v14 =	vld [tilespmem:$0x150]  }
0xa0: {  	v15 =	vld [tilespmem:$0x160]  }
0xa1: {  	v16 =	vld [tilespmem:$0x170]  }
0xa2: {  	v17 =	vld [tilespmem:$0x180]  }
0xa3: {  	v18 =	vld [tilespmem:$0x190]  }
0xa4: {  	v19 =	vld [tilespmem:$0x1A0]  }
0xa5: {  	v20 =	vld [tilespmem:$0x1B0]  }
0xa6: {  	v21 =	vld [tilespmem:$0x1C0]  }
0xa7: {  	v22 =	vld [tilespmem:$0x1D0]  }
0xa8: {  	v23 =	vld [tilespmem:$0x1E0]  }
0xa9: {  	v24 =	vld [tilespmem:$0x1F0]  }
0xaa: {  	v25 =	vld [tilespmem:$0x200]  }
0xab: {  	v26 =	vld [tilespmem:$0x210]  }
0xac: {  	v27 =	vld [tilespmem:$0x220]  }
0xad: {  	v28 =	vld [tilespmem:$0x230]  }
0xae: {  	v29 =	vld [tilespmem:$0x240]  }
0xaf: {  	v30 =	vld [tilespmem:$0x250]  }
0xb0: {  	v31 =	vld [tilespmem:$0x260]  }
0xb1: {  	v32 =	vld [tilespmem:$0x270]  }
0xb2: {  	v33 =	vld [tilespmem:$0x280]  }
0xb3: {  	v34 =	vld [tilespmem:$0x290]  }
0xb4: {  	v35 =	vld [tilespmem:$0x2A0]  }
0xb5: {  	v36 =	vld [tilespmem:$0x2B0]  }
0xb6: {  	v37 =	vld [tilespmem:$0x2C0]  }
0xb7: {  	v38 =	vld [tilespmem:$0x2D0]  }
0xb8: {  	v39 =	vld [tilespmem:$0x2E0]  }
0xb9: {  	v40 =	vld [tilespmem:$0x2F0]  }
0xba: {  	v41 =	vld [tilespmem:$0x300]  }
0xbb: {  	v42 =	vld [tilespmem:$0x310]  }
0xbc: {  	v43 =	vld [tilespmem:$0x320]  }
0xbd: {  	v44 =	vld [tilespmem:$0x330]  }
0xbe: {  	v45 =	vld [tilespmem:$0x340]  }
0xbf: {  	v46 =	vld [tilespmem:$0x350]  }
0xc0: {  	v47 =	vld [tilespmem:$0x360]  }
0xc1: {  	v48 =	vld [tilespmem:$0x370]  }
0xc2: {  	v49 =	vld [tilespmem:$0x380]  }
0xc3: {  	v50 =	vld [tilespmem:$0x390]  }
0xc4: {  	v51 =	vld [tilespmem:$0x3A0]  }
0xc5: {  	v52 =	vld [tilespmem:$0x3B0]  }
0xc6: {  	v53 =	vld [tilespmem:$0x3C0]  }
0xc7: {  	v54 =	vld [tilespmem:$0x3D0]  }
0xc8: {  	v55 =	vld [tilespmem:$0x3E0]  }
0xc9: {  	v56 =	vld [tilespmem:$0x3F0]  }
0xca: {  	v57 =	vld [tilespmem:$0x400]  }
0xcb: {  	v60 =	vld [tilespmem:$0x410]  }
0xcc: {  	v62 =	vld [tilespmem:$0x460]  }
0xcd: {  	v58 =	vld [tilespmem:$0x450]  }
0xce: {  	v59 =	vld [tilespmem:$0x420]  }
0xcf: {  	v63 =	vld [tilespmem:$0x430]  }
0xd0: {  	v61 =	vld [tilespmem:$0x440]  }
0xd1: {  	[tilespmem:$0x1FFF0] =	vst v62;
	v0 =	vadd.f32 $0.0e+00, v0;
	v62 =	vld [tilespmem:$0x470]  }
0xd2: {  	[tilespmem:$0x1FFE0] =	vst v58;
	v1 =	vadd.f32 $0.0e+00, v1;
	v58 =	vld [tilespmem:$0x480]  }
0xd3: {  	v2 =	vadd.f32 $0.0e+00, v2;
	v0 =	vadd.f32 v4, v0;
	v4 =	vld [tilespmem:$0x490]  }
0xd4: {  	v3 =	vadd.f32 $0.0e+00, v3;
	v1 =	vadd.f32 v5, v1;
	v5 =	vld [tilespmem:$0x4A0]  }
0xd5: {  	v2 =	vadd.f32 v6, v2;
	v6 =	vld [tilespmem:$0x4B0]  }
0xd6: {  	v3 =	vadd.f32 v7, v3;
	v7 =	vld [tilespmem:$0x4C0]  }
0xd7: {  	v0 =	vadd.f32 v8, v0;
	v1 =	vadd.f32 v9, v1;
	v8 =	vld [tilespmem:$0x4D0]  }
0xd8: {  	v2 =	vadd.f32 v10, v2;
	v3 =	vadd.f32 v11, v3;
	v9 =	vld [tilespmem:$0x4E0]  }
0xd9: {  	v10 =	vld [tilespmem:$0x4F0];
	v0 =	vadd.f32 v12, v0;
	v1 =	vadd.f32 v13, v1  }
0xda: {  	v11 =	vld [tilespmem:$0x500];
	v2 =	vadd.f32 v14, v2;
	v3 =	vadd.f32 v15, v3  }
0xdb: {  	v12 =	vld [tilespmem:$0x510];
	v0 =	vadd.f32 v16, v0;
	v1 =	vadd.f32 v17, v1  }
0xdc: {  	v13 =	vld [tilespmem:$0x520];
	v2 =	vadd.f32 v18, v2;
	v3 =	vadd.f32 v19, v3  }
0xdd: {  	v14 =	vld [tilespmem:$0x530];
	v0 =	vadd.f32 v20, v0;
	v1 =	vadd.f32 v21, v1  }
0xde: {  	v15 =	vld [tilespmem:$0x540];
	v2 =	vadd.f32 v22, v2;
	v3 =	vadd.f32 v23, v3  }
0xdf: {  	v16 =	vld [tilespmem:$0x550];
	v0 =	vadd.f32 v24, v0;
	v1 =	vadd.f32 v25, v1  }
0xe0: {  	v17 =	vld [tilespmem:$0x560];
	v2 =	vadd.f32 v26, v2;
	v3 =	vadd.f32 v27, v3  }
0xe1: {  	v18 =	vld [tilespmem:$0x570];
	v0 =	vadd.f32 v28, v0;
	v1 =	vadd.f32 v29, v1  }
0xe2: {  	v19 =	vld [tilespmem:$0x580];
	v2 =	vadd.f32 v30, v2;
	v3 =	vadd.f32 v31, v3  }
0xe3: {  	v20 =	vld [tilespmem:$0x590];
	v0 =	vadd.f32 v32, v0;
	v1 =	vadd.f32 v33, v1  }
0xe4: {  	v21 =	vld [tilespmem:$0x5A0];
	v2 =	vadd.f32 v34, v2;
	v3 =	vadd.f32 v35, v3  }
0xe5: {  	v22 =	vld [tilespmem:$0x5B0];
	v0 =	vadd.f32 v36, v0;
	v1 =	vadd.f32 v37, v1  }
0xe6: {  	v23 =	vld [tilespmem:$0x5C0];
	v2 =	vadd.f32 v38, v2;
	v3 =	vadd.f32 v39, v3  }
0xe7: {  	v24 =	vld [tilespmem:$0x5D0];
	v0 =	vadd.f32 v40, v0;
	v1 =	vadd.f32 v41, v1  }
0xe8: {  	v25 =	vld [tilespmem:$0x5E0];
	v2 =	vadd.f32 v42, v2;
	v3 =	vadd.f32 v43, v3  }
0xe9: {  	v26 =	vld [tilespmem:$0x5F0];
	v0 =	vadd.f32 v44, v0;
	v1 =	vadd.f32 v45, v1  }
0xea: {  	v27 =	vld [tilespmem:$0x600];
	v2 =	vadd.f32 v46, v2;
	v3 =	vadd.f32 v47, v3  }
0xeb: {  	v28 =	vld [tilespmem:$0x610];
	v0 =	vadd.f32 v48, v0;
	v1 =	vadd.f32 v49, v1  }
0xec: {  	v39 =	vld [tilespmem:$0x1FFE0];
	v2 =	vadd.f32 v50, v2;
	v3 =	vadd.f32 v51, v3  }
0xed: {  	v40 =	vld [tilespmem:$0x1FFF0];
	v0 =	vadd.f32 v52, v0;
	v1 =	vadd.f32 v53, v1  }
0xee: {  	v36 =	vld [tilespmem:$0x630];
	v2 =	vadd.f32 v54, v2;
	v3 =	vadd.f32 v55, v3  }
0xef: {  	v37 =	vld [tilespmem:$0x640];
	v0 =	vadd.f32 v56, v0;
	v1 =	vadd.f32 v57, v1  }
0xf0: {  	v38 =	vld [tilespmem:$0x650];
	v2 =	vadd.f32 v60, v2;
	v3 =	vadd.f32 v59, v3  }
0xf1: {  	v41 =	vld [tilespmem:$0x660];
	v0 =	vadd.f32 v63, v0;
	v1 =	vadd.f32 v61, v1  }
0xf2: {  	v42 =	vld [tilespmem:$0x670];
	v2 =	vadd.f32 v39, v2;
	v3 =	vadd.f32 v40, v3  }
0xf3: {  	v43 =	vld [tilespmem:$0x680];
	v0 =	vadd.f32 v62, v0;
	v1 =	vadd.f32 v58, v1  }
0xf4: {  	v44 =	vld [tilespmem:$0x690];
	v2 =	vadd.f32 v4, v2;
	v3 =	vadd.f32 v5, v3  }
0xf5: {  	v45 =	vld [tilespmem:$0x6A0];
	v0 =	vadd.f32 v6, v0;
	v1 =	vadd.f32 v7, v1  }
0xf6: {  	v46 =	vld [tilespmem:$0x6B0];
	v2 =	vadd.f32 v8, v2;
	v3 =	vadd.f32 v9, v3  }
0xf7: {  	v47 =	vld [tilespmem:$0x6C0];
	v0 =	vadd.f32 v10, v0;
	v1 =	vadd.f32 v11, v1  }
0xf8: {  	v48 =	vld [tilespmem:$0x6D0];
	v2 =	vadd.f32 v12, v2;
	v3 =	vadd.f32 v13, v3  }
0xf9: {  	v49 =	vld [tilespmem:$0x6E0];
	v0 =	vadd.f32 v14, v0;
	v1 =	vadd.f32 v15, v1  }
0xfa: {  	v50 =	vld [tilespmem:$0x6F0];
	v2 =	vadd.f32 v16, v2;
	v3 =	vadd.f32 v17, v3  }
0xfb: {  	v55 =	vld [tilespmem:$0x620];
	v0 =	vadd.f32 v18, v0;
	v1 =	vadd.f32 v19, v1  }
0xfc: {  	v51 =	vld [tilespmem:$0x700];
	v2 =	vadd.f32 v20, v2;
	v3 =	vadd.f32 v21, v3  }
0xfd: {  	v52 =	vld [tilespmem:$0x710];
	v0 =	vadd.f32 v22, v0;
	v1 =	vadd.f32 v23, v1  }
0xfe: {  	v53 =	vld [tilespmem:$0x720];
	v2 =	vadd.f32 v24, v2;
	v3 =	vadd.f32 v25, v3  }
0xff: {  	v54 =	vld [tilespmem:$0x730];
	v0 =	vadd.f32 v26, v0;
	v1 =	vadd.f32 v27, v1  }
0x100: {  	v56 =	vld [tilespmem:$0x750];
	v2 =	vadd.f32 v28, v2;
	v3 =	vadd.f32 v55, v3  }
0x101: {  	v57 =	vld [tilespmem:$0x760];
	v0 =	vadd.f32 v36, v0;
	v1 =	vadd.f32 v37, v1  }
0x102: {  	v59 =	vld [tilespmem:$0x780];
	v2 =	vadd.f32 v38, v2;
	v3 =	vadd.f32 v41, v3  }
0x103: {  	v60 =	vld [tilespmem:$0x790];
	v0 =	vadd.f32 v42, v0;
	v1 =	vadd.f32 v43, v1  }
0x104: {  	v55 =	vld [tilespmem:$0x740];
	v2 =	vadd.f32 v44, v2;
	v3 =	vadd.f32 v45, v3  }
0x105: {  	v61 =	vld [tilespmem:$0x7A0];
	v0 =	vadd.f32 v46, v0;
	v1 =	vadd.f32 v47, v1  }
0x106: {  	v58 =	vld [tilespmem:$0x770];
	v2 =	vadd.f32 v48, v2;
	v3 =	vadd.f32 v49, v3  }
0x107: {  	v63 =	vld [tilespmem:$0x7C0];
	v0 =	vadd.f32 v50, v0;
	v1 =	vadd.f32 v51, v1  }
0x108: {  	v62 =	vld [tilespmem:$0x7B0];
	v2 =	vadd.f32 v52, v2;
	v3 =	vadd.f32 v53, v3  }
0x109: {  	v0 =	vadd.f32 v54, v0;
	v1 =	vadd.f32 v55, v1  }
0x10a: {  	v2 =	vadd.f32 v56, v2;
	v3 =	vadd.f32 v57, v3  }
0x10b: {  	v0 =	vadd.f32 v58, v0;
	v1 =	vadd.f32 v59, v1  }
0x10c: {  	v2 =	vadd.f32 v60, v2;
	v3 =	vadd.f32 v61, v3  }
0x10d: {  	v0 =	vadd.f32 v62, v0;
	v1 =	vadd.f32 v63, v1;
	_ =	sdelay $0x1  }
0x10e: {  	v1 =	vadd.f32 v1, v2;
	v0 =	vadd.f32 v0, v3;
	_ =	sdelay $0x1  }
.Ltmp3:
0x10f: {  	v0 =	vadd.f32 v1, v0;
	(pc) =	sbr.rel .LBB2_4-.Ltmp3, $3  }
0x110: {  	_ = 	snop  }
0x111: {  	v0 =	vmul.f32 $8.474576290e-03, v0;
	_ =	sdelay $0x1  }
0x112: {  	s21 =	smov.u32 s4;
	[tilespmem:$0x800] =	vst v0  }
.LBB2_5:
0x113: {  	_ =	sfence.sel $0x180000  }
0x114: {  	[bflag:$0x0] =	sbarrier.arrive $0xFFFF  }
0x115: {  	p0 =	sne.s32 s1, $0x0;
	_ =	strace $0x90000047  }
0x116: {  	s0 =	sadd.s32 @!p0 $0x100000, s0;
	[bflag:$0x2] =	sbarrier.arrive $0xFFFF  }
0x117: {  	[sflag:s0] =	ssyncadd.tile.s32 @!p0 $0x1;
	_ =	shalt  }
.Lfunc_end2:
_tile_overlayer_lowered:
.L_overlay_start_2:
0x118: {  	(tag) =	ssettag $0x2  }
0x119: {  	s0 =	rddreg [dreg:$0x0];
	s2 =	stileid.u32  }
0x11a: {  	s1 =	rddreg [dreg:$0x1];
	p0 =	sne.s32 s2, $0x0  }
0x11b: {  	s3 =	rddreg [dreg:$0x2];
	[bflag:$0x3] =	sbarrier.arrive $0xFFFF;
	s2 =	simm.s32 @!p0 $0x1C01  }
0x11c: {  	[timem:s3], [sflag:s2] =	dma.local @!p0 [hbm:s0], s1  }
0x11d: {  	s0 =	simm.s32 @!p0 $0x1  }
0x11e: {  	_ =	swait.ge @!p0 [sflag:s0], s1  }
0x11f: {  	s1 =	ssub.s32 @!p0 $0x0, s1;
	[sflag:s0] =	ssyncset.done @!p0 $0x0  }
0x120: {  	[sflag:s0] =	ssyncadd.s32 @!p0 s1  }
0x121: {  	[bflag:$0x3] =	sbarrier.arrive $0xFFFF  }
0x122: {  	_ =	shalt  }

</sc_bundles>
